<compile_context>
chip_gen: v7x
topology: tpu7x:2x2x1
jax: 0.10.2.dev20260603
libtpu: 0.0.44.dev20260713+nightly
codegen_flags: <defaults>
</compile_context>

<pallas_src>
import functools

import jax
import jax.numpy as jnp
from jax import lax
from jax.experimental import pallas as pl
from jax.experimental.pallas import tpu as pltpu
from jax.experimental.pallas import tpu_sc as plsc

_NC = 2
_NS = 16
_NW = _NC * _NS
_R = 4


@functools.partial(jax.jit, static_argnames=("batch", "hist", "dim"))
def _embed(xs, table, batch, hist, dim):
    rows_per_w = batch // _NW
    n_groups = rows_per_w // _R
    n_pairs = n_groups // 2
    mesh = plsc.VectorSubcoreMesh(core_axis_name="c", subcore_axis_name="s")

    @functools.partial(
        pl.kernel,
        mesh=mesh,
        out_type=jax.ShapeDtypeStruct((batch, hist, dim), jnp.float32),
        compiler_params=pltpu.CompilerParams(use_tc_tiling_on_sc=False),
        scratch_types=[
            pltpu.VMEM((rows_per_w, hist), jnp.int32),
            pltpu.VMEM((_R, hist, dim), jnp.float32),
            pltpu.VMEM((_R, hist, dim), jnp.float32),
            pltpu.SemaphoreType.DMA,
            pltpu.SemaphoreType.DMA,
            pltpu.SemaphoreType.DMA,
            pltpu.SemaphoreType.DMA,
        ],
    )
    def k(xs_hbm, table_hbm, out_hbm, idx_v, buf0, buf1, gs0, gs1, os0, os1):
        wid = lax.axis_index("s") * _NC + lax.axis_index("c")
        base = wid * rows_per_w
        pltpu.sync_copy(xs_hbm.at[pl.ds(base, rows_per_w)], idx_v)

        def g_copy(g, j, buf, sem):
            return pltpu.make_async_copy(
                table_hbm.at[idx_v.at[g * _R + j]], buf.at[j], sem)

        def o_copy(g, buf, sem):
            return pltpu.make_async_copy(
                buf, out_hbm.at[pl.ds(base + g * _R, _R)], sem)

        for j in range(_R):
            g_copy(0, j, buf0, gs0).start()

        def body(p, carry):
            ge = 2 * p
            go = ge + 1

            @pl.when(p > 0)
            def _():
                o_copy(go - 2, buf1, os1).wait()

            for j in range(_R):
                g_copy(go, j, buf1, gs1).start()
            for j in range(_R):
                g_copy(ge, j, buf0, gs0).wait()
            o_copy(ge, buf0, os0).start()
            for j in range(_R):
                g_copy(go, j, buf1, gs1).wait()
            o_copy(ge, buf0, os0).wait()

            @pl.when(p < n_pairs - 1)
            def _():
                for j in range(_R):
                    g_copy(ge + 2, j, buf0, gs0).start()

            o_copy(go, buf1, os1).start()
            return carry

        lax.fori_loop(0, n_pairs, body, 0)
        o_copy(n_groups - 1, buf1, os1).wait()

    return k(xs, table)


def kernel(xs, table):
    b, t = xs.shape
    dim = table.shape[1]
    return _embed(xs.astype(jnp.int32), table, batch=b, hist=t, dim=dim)

# --- scband reference (transcript-rebuilt; emitter-appended) ---
"""Pipeline reference for scband-pos-embed-layer-16801912062519 (READ-ONLY COPY).

The authoritative reference and input builder live on the scoring server;
editing this copy changes nothing except your own understanding.
"""

import jax, jax.numpy as jnp
import numpy as np

NUM_EMBEDDINGS = 1000000
EMBEDDING_DIM = 32
BATCH = 4096
HIST_LEN = 200

def setup_inputs(seed: int = 0) -> dict:
    key = jax.random.key(seed)
    k1, k2 = jax.random.split(key)
    xs = jax.random.randint(k1, (BATCH, HIST_LEN), 0, NUM_EMBEDDINGS, dtype=jnp.int64 if jax.config.jax_enable_x64 else jnp.int32)
    table = jax.random.normal(k2, (NUM_EMBEDDINGS, EMBEDDING_DIM), dtype=jnp.float32)
    return {"xs": xs, "table": table}

def reference(xs, table):
    # nn.Embedding lookup: batchsize x word_ids -> batchsize x word_ids x dim
    # dropout p = 0.0, so the dropout branch is skipped (identity)
    embeds = jnp.take(table, xs, axis=0)
    return embeds

if __name__ == "__main__":
    import jax
    _d = setup_inputs()
    print(jax.jit(kernel)(*tuple(_d.values())))

</pallas_src>

<mosaic_0001>
#map = affine_map<(d0, d1) -> (0, 0)>
#map1 = affine_map<(d0, d1) -> (0, 0, 0)>
module attributes {stable_mosaic.version = 14 : i64} {
  func.func @k(%arg0: i32, %arg1: i32, %arg2: memref<4096x200xi32, #tpu.memory_space<hbm>>, %arg3: memref<1000000x32xf32, #tpu.memory_space<hbm>>, %arg4: memref<4096x200x32xf32, #tpu.memory_space<hbm>>, %arg5: memref<128x200xi32, #tpu.memory_space<vmem>>, %arg6: memref<4x200x32xf32, #tpu.memory_space<vmem>>, %arg7: memref<4x200x32xf32, #tpu.memory_space<vmem>>, %arg8: memref<!tpu.dma_semaphore, #tpu.memory_space<semaphore_mem>>, %arg9: memref<!tpu.dma_semaphore, #tpu.memory_space<semaphore_mem>>, %arg10: memref<!tpu.dma_semaphore, #tpu.memory_space<semaphore_mem>>, %arg11: memref<!tpu.dma_semaphore, #tpu.memory_space<semaphore_mem>>) attributes {dimension_semantics = [#tpu.dimension_semantics<core_parallel>, #tpu.dimension_semantics<subcore_parallel>], iteration_bounds = array<i64: 2, 16>, scalar_prefetch = 0 : i64, scratch_operands = 7 : i64, tpu.core_type = #tpu.core_type<sc_vector_subcore>, window_params = [{transform_indices = #map}, {transform_indices = #map}, {transform_indices = #map1}]} {
    %mul3A = arith.constant 2 : i32
    %mul3A_0 = arith.muli %arg1, %mul3A : i32
    %add3A = arith.addi %mul3A_0, %arg0 : i32
    %mul3A_1 = arith.constant 128 : i32
    %mul3A_2 = arith.muli %add3A, %mul3A_1 : i32
    "tpu.region"() ({
      %run_scoped3A = tpu.sem_alloc : memref<!tpu.dma_semaphore, #tpu.memory_space<semaphore_mem>>
      %dma_start3A_62 = arith.constant 0 : i32
      %dma_start3A_63 = tpu.memref_slice %arg2[%mul3A_2, %dma_start3A_62] : memref<4096x200xi32, #tpu.memory_space<hbm>> -> memref<128x200xi32, #tpu.memory_space<hbm>>
      %dma_start3A_64 = arith.constant 0 : i32
      %dma_start3A_65 = tpu.memref_slice %arg2[%mul3A_2, %dma_start3A_64] : memref<4096x200xi32, #tpu.memory_space<hbm>> -> memref<128x200xi32, #tpu.memory_space<hbm>>
      tpu.enqueue_dma source(%dma_start3A_65 : memref<128x200xi32, #tpu.memory_space<hbm>>) target(%arg5 : memref<128x200xi32, #tpu.memory_space<vmem>>) target_semaphore(%run_scoped3A : memref<!tpu.dma_semaphore, #tpu.memory_space<semaphore_mem>>)
      %dma_wait3A_66 = arith.constant 0 : i32
      %dma_wait3A_67 = tpu.memref_slice %arg2[%mul3A_2, %dma_wait3A_66] : memref<4096x200xi32, #tpu.memory_space<hbm>> -> memref<128x200xi32, #tpu.memory_space<hbm>>
      %dma_wait3A_68 = arith.constant 0 : i32
      %dma_wait3A_69 = tpu.memref_slice %arg2[%mul3A_2, %dma_wait3A_68] : memref<4096x200xi32, #tpu.memory_space<hbm>> -> memref<128x200xi32, #tpu.memory_space<hbm>>
      tpu.wait_dma2 semaphore(%run_scoped3A : memref<!tpu.dma_semaphore, #tpu.memory_space<semaphore_mem>>) src(%dma_wait3A_69 : memref<128x200xi32, #tpu.memory_space<hbm>>) dst(%arg5 : memref<128x200xi32, #tpu.memory_space<vmem>>)
      tpu.yield
    }) : () -> ()
    %dma_start3A = arith.constant 0 : i32
    %dma_start3A_3 = arith.constant 0 : i32
    %dma_start3A_4 = arith.constant 0 : i32
    %dma_start3A_5 = arith.constant 0 : i32
    %dma_start3A_6 = tpu.memref_slice %arg6[%dma_start3A_3, %dma_start3A_4, %dma_start3A_5] : memref<4x200x32xf32, #tpu.memory_space<vmem>> -> memref<1x200x32xf32, #tpu.memory_space<vmem>>
    %dma_start3A_7 = tpu.memref_squeeze %dma_start3A_6 : memref<1x200x32xf32, #tpu.memory_space<vmem>> -> memref<200x32xf32, #tpu.memory_space<vmem>>
    %dma_start3A_8 = arith.constant 0 : i32
    %dma_start3A_9 = tpu.memref_slice %arg5[%dma_start3A, %dma_start3A_8] : memref<128x200xi32, #tpu.memory_space<vmem>> -> memref<1x200xi32, #tpu.memory_space<vmem>>
    %dma_start3A_10 = tpu.memref_squeeze %dma_start3A_9 : memref<1x200xi32, #tpu.memory_space<vmem>> -> memref<200xi32, #tpu.memory_space<vmem>>
    %dma_start3A_11 = arith.constant 0 : i32
    %dma_start3A_12 = arith.constant 0 : i32
    %dma_start3A_13 = tpu.memref_slice %arg3[%dma_start3A_11, %dma_start3A_12] : memref<1000000x32xf32, #tpu.memory_space<hbm>> -> memref<1000000x32xf32, #tpu.memory_space<hbm>>
    tpu.enqueue_indirect_dma source(%dma_start3A_13 : memref<1000000x32xf32, #tpu.memory_space<hbm>>) target(%dma_start3A_7 : memref<200x32xf32, #tpu.memory_space<vmem>>) offsets(%dma_start3A_10 : memref<200xi32, #tpu.memory_space<vmem>>) semaphore(%arg8 : memref<!tpu.dma_semaphore, #tpu.memory_space<semaphore_mem>>)
    %dma_start3A_14 = arith.constant 1 : i32
    %dma_start3A_15 = arith.constant 1 : i32
    %dma_start3A_16 = arith.constant 0 : i32
    %dma_start3A_17 = arith.constant 0 : i32
    %dma_start3A_18 = tpu.memref_slice %arg6[%dma_start3A_15, %dma_start3A_16, %dma_start3A_17] : memref<4x200x32xf32, #tpu.memory_space<vmem>> -> memref<1x200x32xf32, #tpu.memory_space<vmem>>
    %dma_start3A_19 = tpu.memref_squeeze %dma_start3A_18 : memref<1x200x32xf32, #tpu.memory_space<vmem>> -> memref<200x32xf32, #tpu.memory_space<vmem>>
    %dma_start3A_20 = arith.constant 0 : i32
    %dma_start3A_21 = tpu.memref_slice %arg5[%dma_start3A_14, %dma_start3A_20] : memref<128x200xi32, #tpu.memory_space<vmem>> -> memref<1x200xi32, #tpu.memory_space<vmem>>
    %dma_start3A_22 = tpu.memref_squeeze %dma_start3A_21 : memref<1x200xi32, #tpu.memory_space<vmem>> -> memref<200xi32, #tpu.memory_space<vmem>>
    %dma_start3A_23 = arith.constant 0 : i32
    %dma_start3A_24 = arith.constant 0 : i32
    %dma_start3A_25 = tpu.memref_slice %arg3[%dma_start3A_23, %dma_start3A_24] : memref<1000000x32xf32, #tpu.memory_space<hbm>> -> memref<1000000x32xf32, #tpu.memory_space<hbm>>
    tpu.enqueue_indirect_dma source(%dma_start3A_25 : memref<1000000x32xf32, #tpu.memory_space<hbm>>) target(%dma_start3A_19 : memref<200x32xf32, #tpu.memory_space<vmem>>) offsets(%dma_start3A_22 : memref<200xi32, #tpu.memory_space<vmem>>) semaphore(%arg8 : memref<!tpu.dma_semaphore, #tpu.memory_space<semaphore_mem>>)
    %dma_start3A_26 = arith.constant 2 : i32
    %dma_start3A_27 = arith.constant 2 : i32
    %dma_start3A_28 = arith.constant 0 : i32
    %dma_start3A_29 = arith.constant 0 : i32
    %dma_start3A_30 = tpu.memref_slice %arg6[%dma_start3A_27, %dma_start3A_28, %dma_start3A_29] : memref<4x200x32xf32, #tpu.memory_space<vmem>> -> memref<1x200x32xf32, #tpu.memory_space<vmem>>
    %dma_start3A_31 = tpu.memref_squeeze %dma_start3A_30 : memref<1x200x32xf32, #tpu.memory_space<vmem>> -> memref<200x32xf32, #tpu.memory_space<vmem>>
    %dma_start3A_32 = arith.constant 0 : i32
    %dma_start3A_33 = tpu.memref_slice %arg5[%dma_start3A_26, %dma_start3A_32] : memref<128x200xi32, #tpu.memory_space<vmem>> -> memref<1x200xi32, #tpu.memory_space<vmem>>
    %dma_start3A_34 = tpu.memref_squeeze %dma_start3A_33 : memref<1x200xi32, #tpu.memory_space<vmem>> -> memref<200xi32, #tpu.memory_space<vmem>>
    %dma_start3A_35 = arith.constant 0 : i32
    %dma_start3A_36 = arith.constant 0 : i32
    %dma_start3A_37 = tpu.memref_slice %arg3[%dma_start3A_35, %dma_start3A_36] : memref<1000000x32xf32, #tpu.memory_space<hbm>> -> memref<1000000x32xf32, #tpu.memory_space<hbm>>
    tpu.enqueue_indirect_dma source(%dma_start3A_37 : memref<1000000x32xf32, #tpu.memory_space<hbm>>) target(%dma_start3A_31 : memref<200x32xf32, #tpu.memory_space<vmem>>) offsets(%dma_start3A_34 : memref<200xi32, #tpu.memory_space<vmem>>) semaphore(%arg8 : memref<!tpu.dma_semaphore, #tpu.memory_space<semaphore_mem>>)
    %dma_start3A_38 = arith.constant 3 : i32
    %dma_start3A_39 = arith.constant 3 : i32
    %dma_start3A_40 = arith.constant 0 : i32
    %dma_start3A_41 = arith.constant 0 : i32
    %dma_start3A_42 = tpu.memref_slice %arg6[%dma_start3A_39, %dma_start3A_40, %dma_start3A_41] : memref<4x200x32xf32, #tpu.memory_space<vmem>> -> memref<1x200x32xf32, #tpu.memory_space<vmem>>
    %dma_start3A_43 = tpu.memref_squeeze %dma_start3A_42 : memref<1x200x32xf32, #tpu.memory_space<vmem>> -> memref<200x32xf32, #tpu.memory_space<vmem>>
    %dma_start3A_44 = arith.constant 0 : i32
    %dma_start3A_45 = tpu.memref_slice %arg5[%dma_start3A_38, %dma_start3A_44] : memref<128x200xi32, #tpu.memory_space<vmem>> -> memref<1x200xi32, #tpu.memory_space<vmem>>
    %dma_start3A_46 = tpu.memref_squeeze %dma_start3A_45 : memref<1x200xi32, #tpu.memory_space<vmem>> -> memref<200xi32, #tpu.memory_space<vmem>>
    %dma_start3A_47 = arith.constant 0 : i32
    %dma_start3A_48 = arith.constant 0 : i32
    %dma_start3A_49 = tpu.memref_slice %arg3[%dma_start3A_47, %dma_start3A_48] : memref<1000000x32xf32, #tpu.memory_space<hbm>> -> memref<1000000x32xf32, #tpu.memory_space<hbm>>
    tpu.enqueue_indirect_dma source(%dma_start3A_49 : memref<1000000x32xf32, #tpu.memory_space<hbm>>) target(%dma_start3A_43 : memref<200x32xf32, #tpu.memory_space<vmem>>) offsets(%dma_start3A_46 : memref<200xi32, #tpu.memory_space<vmem>>) semaphore(%arg8 : memref<!tpu.dma_semaphore, #tpu.memory_space<semaphore_mem>>)
    %scan3A = arith.constant 0 : i32
    %scan3A_50 = arith.constant 0 : i32
    %scan3A_51 = arith.constant 16 : i32
    %scan3A_52 = arith.addi %scan3A_50, %scan3A_51 : i32
    %scan3A_53 = arith.constant 1 : i32
    scf.for %scan3A_62 = %scan3A_50 to %scan3A_52 step %scan3A_53  : i32 {
      %mul3A_63 = arith.constant 2 : i32
      %mul3A_64 = arith.muli %mul3A_63, %scan3A_62 : i32
      %add3A_65 = arith.constant 1 : i32
      %add3A_66 = arith.addi %mul3A_64, %add3A_65 : i32
      %gt3A = arith.constant 0 : i32
      %gt3A_67 = arith.cmpi sgt, %scan3A_62, %gt3A : i32
      %convert_element_type3A = arith.extui %gt3A_67 : i1 to i32
      %cond3A = arith.constant 0 : i32
      %cond3A_68 = arith.cmpi ne, %convert_element_type3A, %cond3A : i32
      scf.if %cond3A_68 {
        %sub3A = arith.constant 2 : i32
        %sub3A_280 = arith.subi %add3A_66, %sub3A : i32
        %mul3A_281 = arith.constant 4 : i32
        %mul3A_282 = arith.muli %sub3A_280, %mul3A_281 : i32
        %add3A_283 = arith.addi %mul3A_2, %mul3A_282 : i32
        %dma_wait3A_284 = arith.constant 0 : i32
        %dma_wait3A_285 = arith.constant 0 : i32
        %dma_wait3A_286 = tpu.memref_slice %arg4[%add3A_283, %dma_wait3A_284, %dma_wait3A_285] : memref<4096x200x32xf32, #tpu.memory_space<hbm>> -> memref<4x200x32xf32, #tpu.memory_space<hbm>>
        %dma_wait3A_287 = arith.constant 0 : i32
        %dma_wait3A_288 = arith.constant 0 : i32
        %dma_wait3A_289 = tpu.memref_slice %arg4[%add3A_283, %dma_wait3A_287, %dma_wait3A_288] : memref<4096x200x32xf32, #tpu.memory_space<hbm>> -> memref<4x200x32xf32, #tpu.memory_space<hbm>>
        tpu.wait_dma2 semaphore(%arg11 : memref<!tpu.dma_semaphore, #tpu.memory_space<semaphore_mem>>) src(%arg7 : memref<4x200x32xf32, #tpu.memory_space<vmem>>) dst(%dma_wait3A_289 : memref<4x200x32xf32, #tpu.memory_space<hbm>>)
      } else {
      }
      %mul3A_69 = arith.constant 4 : i32
      %mul3A_70 = arith.muli %add3A_66, %mul3A_69 : i32
      %add3A_71 = arith.constant 0 : i32
      %add3A_72 = arith.addi %mul3A_70, %add3A_71 : i32
      %dma_start3A_73 = arith.constant 0 : i32
      %dma_start3A_74 = arith.constant 0 : i32
      %dma_start3A_75 = arith.constant 0 : i32
      %dma_start3A_76 = tpu.memref_slice %arg7[%dma_start3A_73, %dma_start3A_74, %dma_start3A_75] : memref<4x200x32xf32, #tpu.memory_space<vmem>> -> memref<1x200x32xf32, #tpu.memory_space<vmem>>
      %dma_start3A_77 = tpu.memref_squeeze %dma_start3A_76 : memref<1x200x32xf32, #tpu.memory_space<vmem>> -> memref<200x32xf32, #tpu.memory_space<vmem>>
      %dma_start3A_78 = arith.constant 0 : i32
      %dma_start3A_79 = tpu.memref_slice %arg5[%add3A_72, %dma_start3A_78] : memref<128x200xi32, #tpu.memory_space<vmem>> -> memref<1x200xi32, #tpu.memory_space<vmem>>
      %dma_start3A_80 = tpu.memref_squeeze %dma_start3A_79 : memref<1x200xi32, #tpu.memory_space<vmem>> -> memref<200xi32, #tpu.memory_space<vmem>>
      %dma_start3A_81 = arith.constant 0 : i32
      %dma_start3A_82 = arith.constant 0 : i32
      %dma_start3A_83 = tpu.memref_slice %arg3[%dma_start3A_81, %dma_start3A_82] : memref<1000000x32xf32, #tpu.memory_space<hbm>> -> memref<1000000x32xf32, #tpu.memory_space<hbm>>
      tpu.enqueue_indirect_dma source(%dma_start3A_83 : memref<1000000x32xf32, #tpu.memory_space<hbm>>) target(%dma_start3A_77 : memref<200x32xf32, #tpu.memory_space<vmem>>) offsets(%dma_start3A_80 : memref<200xi32, #tpu.memory_space<vmem>>) semaphore(%arg9 : memref<!tpu.dma_semaphore, #tpu.memory_space<semaphore_mem>>)
      %mul3A_84 = arith.constant 4 : i32
      %mul3A_85 = arith.muli %add3A_66, %mul3A_84 : i32
      %add3A_86 = arith.constant 1 : i32
      %add3A_87 = arith.addi %mul3A_85, %add3A_86 : i32
      %dma_start3A_88 = arith.constant 1 : i32
      %dma_start3A_89 = arith.constant 0 : i32
      %dma_start3A_90 = arith.constant 0 : i32
      %dma_start3A_91 = tpu.memref_slice %arg7[%dma_start3A_88, %dma_start3A_89, %dma_start3A_90] : memref<4x200x32xf32, #tpu.memory_space<vmem>> -> memref<1x200x32xf32, #tpu.memory_space<vmem>>
      %dma_start3A_92 = tpu.memref_squeeze %dma_start3A_91 : memref<1x200x32xf32, #tpu.memory_space<vmem>> -> memref<200x32xf32, #tpu.memory_space<vmem>>
      %dma_start3A_93 = arith.constant 0 : i32
      %dma_start3A_94 = tpu.memref_slice %arg5[%add3A_87, %dma_start3A_93] : memref<128x200xi32, #tpu.memory_space<vmem>> -> memref<1x200xi32, #tpu.memory_space<vmem>>
      %dma_start3A_95 = tpu.memref_squeeze %dma_start3A_94 : memref<1x200xi32, #tpu.memory_space<vmem>> -> memref<200xi32, #tpu.memory_space<vmem>>
      %dma_start3A_96 = arith.constant 0 : i32
      %dma_start3A_97 = arith.constant 0 : i32
      %dma_start3A_98 = tpu.memref_slice %arg3[%dma_start3A_96, %dma_start3A_97] : memref<1000000x32xf32, #tpu.memory_space<hbm>> -> memref<1000000x32xf32, #tpu.memory_space<hbm>>
      tpu.enqueue_indirect_dma source(%dma_start3A_98 : memref<1000000x32xf32, #tpu.memory_space<hbm>>) target(%dma_start3A_92 : memref<200x32xf32, #tpu.memory_space<vmem>>) offsets(%dma_start3A_95 : memref<200xi32, #tpu.memory_space<vmem>>) semaphore(%arg9 : memref<!tpu.dma_semaphore, #tpu.memory_space<semaphore_mem>>)
      %mul3A_99 = arith.constant 4 : i32
      %mul3A_100 = arith.muli %add3A_66, %mul3A_99 : i32
      %add3A_101 = arith.constant 2 : i32
      %add3A_102 = arith.addi %mul3A_100, %add3A_101 : i32
      %dma_start3A_103 = arith.constant 2 : i32
      %dma_start3A_104 = arith.constant 0 : i32
      %dma_start3A_105 = arith.constant 0 : i32
      %dma_start3A_106 = tpu.memref_slice %arg7[%dma_start3A_103, %dma_start3A_104, %dma_start3A_105] : memref<4x200x32xf32, #tpu.memory_space<vmem>> -> memref<1x200x32xf32, #tpu.memory_space<vmem>>
      %dma_start3A_107 = tpu.memref_squeeze %dma_start3A_106 : memref<1x200x32xf32, #tpu.memory_space<vmem>> -> memref<200x32xf32, #tpu.memory_space<vmem>>
      %dma_start3A_108 = arith.constant 0 : i32
      %dma_start3A_109 = tpu.memref_slice %arg5[%add3A_102, %dma_start3A_108] : memref<128x200xi32, #tpu.memory_space<vmem>> -> memref<1x200xi32, #tpu.memory_space<vmem>>
      %dma_start3A_110 = tpu.memref_squeeze %dma_start3A_109 : memref<1x200xi32, #tpu.memory_space<vmem>> -> memref<200xi32, #tpu.memory_space<vmem>>
      %dma_start3A_111 = arith.constant 0 : i32
      %dma_start3A_112 = arith.constant 0 : i32
      %dma_start3A_113 = tpu.memref_slice %arg3[%dma_start3A_111, %dma_start3A_112] : memref<1000000x32xf32, #tpu.memory_space<hbm>> -> memref<1000000x32xf32, #tpu.memory_space<hbm>>
      tpu.enqueue_indirect_dma source(%dma_start3A_113 : memref<1000000x32xf32, #tpu.memory_space<hbm>>) target(%dma_start3A_107 : memref<200x32xf32, #tpu.memory_space<vmem>>) offsets(%dma_start3A_110 : memref<200xi32, #tpu.memory_space<vmem>>) semaphore(%arg9 : memref<!tpu.dma_semaphore, #tpu.memory_space<semaphore_mem>>)
      %mul3A_114 = arith.constant 4 : i32
      %mul3A_115 = arith.muli %add3A_66, %mul3A_114 : i32
      %add3A_116 = arith.constant 3 : i32
      %add3A_117 = arith.addi %mul3A_115, %add3A_116 : i32
      %dma_start3A_118 = arith.constant 3 : i32
      %dma_start3A_119 = arith.constant 0 : i32
      %dma_start3A_120 = arith.constant 0 : i32
      %dma_start3A_121 = tpu.memref_slice %arg7[%dma_start3A_118, %dma_start3A_119, %dma_start3A_120] : memref<4x200x32xf32, #tpu.memory_space<vmem>> -> memref<1x200x32xf32, #tpu.memory_space<vmem>>
      %dma_start3A_122 = tpu.memref_squeeze %dma_start3A_121 : memref<1x200x32xf32, #tpu.memory_space<vmem>> -> memref<200x32xf32, #tpu.memory_space<vmem>>
      %dma_start3A_123 = arith.constant 0 : i32
      %dma_start3A_124 = tpu.memref_slice %arg5[%add3A_117, %dma_start3A_123] : memref<128x200xi32, #tpu.memory_space<vmem>> -> memref<1x200xi32, #tpu.memory_space<vmem>>
      %dma_start3A_125 = tpu.memref_squeeze %dma_start3A_124 : memref<1x200xi32, #tpu.memory_space<vmem>> -> memref<200xi32, #tpu.memory_space<vmem>>
      %dma_start3A_126 = arith.constant 0 : i32
      %dma_start3A_127 = arith.constant 0 : i32
      %dma_start3A_128 = tpu.memref_slice %arg3[%dma_start3A_126, %dma_start3A_127] : memref<1000000x32xf32, #tpu.memory_space<hbm>> -> memref<1000000x32xf32, #tpu.memory_space<hbm>>
      tpu.enqueue_indirect_dma source(%dma_start3A_128 : memref<1000000x32xf32, #tpu.memory_space<hbm>>) target(%dma_start3A_122 : memref<200x32xf32, #tpu.memory_space<vmem>>) offsets(%dma_start3A_125 : memref<200xi32, #tpu.memory_space<vmem>>) semaphore(%arg9 : memref<!tpu.dma_semaphore, #tpu.memory_space<semaphore_mem>>)
      %mul3A_129 = arith.constant 4 : i32
      %mul3A_130 = arith.muli %mul3A_64, %mul3A_129 : i32
      %add3A_131 = arith.constant 0 : i32
      %add3A_132 = arith.addi %mul3A_130, %add3A_131 : i32
      %dma_wait3A_133 = arith.constant 0 : i32
      %dma_wait3A_134 = arith.constant 0 : i32
      %dma_wait3A_135 = arith.constant 0 : i32
      %dma_wait3A_136 = tpu.memref_slice %arg6[%dma_wait3A_133, %dma_wait3A_134, %dma_wait3A_135] : memref<4x200x32xf32, #tpu.memory_space<vmem>> -> memref<1x200x32xf32, #tpu.memory_space<vmem>>
      %dma_wait3A_137 = tpu.memref_squeeze %dma_wait3A_136 : memref<1x200x32xf32, #tpu.memory_space<vmem>> -> memref<200x32xf32, #tpu.memory_space<vmem>>
      %dma_wait3A_138 = arith.constant 0 : i32
      %dma_wait3A_139 = tpu.memref_slice %arg5[%add3A_132, %dma_wait3A_138] : memref<128x200xi32, #tpu.memory_space<vmem>> -> memref<1x200xi32, #tpu.memory_space<vmem>>
      %dma_wait3A_140 = tpu.memref_squeeze %dma_wait3A_139 : memref<1x200xi32, #tpu.memory_space<vmem>> -> memref<200xi32, #tpu.memory_space<vmem>>
      %dma_wait3A_141 = arith.constant 0 : i32
      %dma_wait3A_142 = arith.constant 0 : i32
      %dma_wait3A_143 = tpu.memref_slice %arg3[%dma_wait3A_141, %dma_wait3A_142] : memref<1000000x32xf32, #tpu.memory_space<hbm>> -> memref<1000000x32xf32, #tpu.memory_space<hbm>>
      tpu.wait_indirect_dma semaphore(%arg8 : memref<!tpu.dma_semaphore, #tpu.memory_space<semaphore_mem>>) src(%dma_wait3A_143 : memref<1000000x32xf32, #tpu.memory_space<hbm>>) dst(%dma_wait3A_137 : memref<200x32xf32, #tpu.memory_space<vmem>>)
      %mul3A_144 = arith.constant 4 : i32
      %mul3A_145 = arith.muli %mul3A_64, %mul3A_144 : i32
      %add3A_146 = arith.constant 1 : i32
      %add3A_147 = arith.addi %mul3A_145, %add3A_146 : i32
      %dma_wait3A_148 = arith.constant 1 : i32
      %dma_wait3A_149 = arith.constant 0 : i32
      %dma_wait3A_150 = arith.constant 0 : i32
      %dma_wait3A_151 = tpu.memref_slice %arg6[%dma_wait3A_148, %dma_wait3A_149, %dma_wait3A_150] : memref<4x200x32xf32, #tpu.memory_space<vmem>> -> memref<1x200x32xf32, #tpu.memory_space<vmem>>
      %dma_wait3A_152 = tpu.memref_squeeze %dma_wait3A_151 : memref<1x200x32xf32, #tpu.memory_space<vmem>> -> memref<200x32xf32, #tpu.memory_space<vmem>>
      %dma_wait3A_153 = arith.constant 0 : i32
      %dma_wait3A_154 = tpu.memref_slice %arg5[%add3A_147, %dma_wait3A_153] : memref<128x200xi32, #tpu.memory_space<vmem>> -> memref<1x200xi32, #tpu.memory_space<vmem>>
      %dma_wait3A_155 = tpu.memref_squeeze %dma_wait3A_154 : memref<1x200xi32, #tpu.memory_space<vmem>> -> memref<200xi32, #tpu.memory_space<vmem>>
      %dma_wait3A_156 = arith.constant 0 : i32
      %dma_wait3A_157 = arith.constant 0 : i32
      %dma_wait3A_158 = tpu.memref_slice %arg3[%dma_wait3A_156, %dma_wait3A_157] : memref<1000000x32xf32, #tpu.memory_space<hbm>> -> memref<1000000x32xf32, #tpu.memory_space<hbm>>
      tpu.wait_indirect_dma semaphore(%arg8 : memref<!tpu.dma_semaphore, #tpu.memory_space<semaphore_mem>>) src(%dma_wait3A_158 : memref<1000000x32xf32, #tpu.memory_space<hbm>>) dst(%dma_wait3A_152 : memref<200x32xf32, #tpu.memory_space<vmem>>)
      %mul3A_159 = arith.constant 4 : i32
      %mul3A_160 = arith.muli %mul3A_64, %mul3A_159 : i32
      %add3A_161 = arith.constant 2 : i32
      %add3A_162 = arith.addi %mul3A_160, %add3A_161 : i32
      %dma_wait3A_163 = arith.constant 2 : i32
      %dma_wait3A_164 = arith.constant 0 : i32
      %dma_wait3A_165 = arith.constant 0 : i32
      %dma_wait3A_166 = tpu.memref_slice %arg6[%dma_wait3A_163, %dma_wait3A_164, %dma_wait3A_165] : memref<4x200x32xf32, #tpu.memory_space<vmem>> -> memref<1x200x32xf32, #tpu.memory_space<vmem>>
      %dma_wait3A_167 = tpu.memref_squeeze %dma_wait3A_166 : memref<1x200x32xf32, #tpu.memory_space<vmem>> -> memref<200x32xf32, #tpu.memory_space<vmem>>
      %dma_wait3A_168 = arith.constant 0 : i32
      %dma_wait3A_169 = tpu.memref_slice %arg5[%add3A_162, %dma_wait3A_168] : memref<128x200xi32, #tpu.memory_space<vmem>> -> memref<1x200xi32, #tpu.memory_space<vmem>>
      %dma_wait3A_170 = tpu.memref_squeeze %dma_wait3A_169 : memref<1x200xi32, #tpu.memory_space<vmem>> -> memref<200xi32, #tpu.memory_space<vmem>>
      %dma_wait3A_171 = arith.constant 0 : i32
      %dma_wait3A_172 = arith.constant 0 : i32
      %dma_wait3A_173 = tpu.memref_slice %arg3[%dma_wait3A_171, %dma_wait3A_172] : memref<1000000x32xf32, #tpu.memory_space<hbm>> -> memref<1000000x32xf32, #tpu.memory_space<hbm>>
      tpu.wait_indirect_dma semaphore(%arg8 : memref<!tpu.dma_semaphore, #tpu.memory_space<semaphore_mem>>) src(%dma_wait3A_173 : memref<1000000x32xf32, #tpu.memory_space<hbm>>) dst(%dma_wait3A_167 : memref<200x32xf32, #tpu.memory_space<vmem>>)
      %mul3A_174 = arith.constant 4 : i32
      %mul3A_175 = arith.muli %mul3A_64, %mul3A_174 : i32
      %add3A_176 = arith.constant 3 : i32
      %add3A_177 = arith.addi %mul3A_175, %add3A_176 : i32
      %dma_wait3A_178 = arith.constant 3 : i32
      %dma_wait3A_179 = arith.constant 0 : i32
      %dma_wait3A_180 = arith.constant 0 : i32
      %dma_wait3A_181 = tpu.memref_slice %arg6[%dma_wait3A_178, %dma_wait3A_179, %dma_wait3A_180] : memref<4x200x32xf32, #tpu.memory_space<vmem>> -> memref<1x200x32xf32, #tpu.memory_space<vmem>>
      %dma_wait3A_182 = tpu.memref_squeeze %dma_wait3A_181 : memref<1x200x32xf32, #tpu.memory_space<vmem>> -> memref<200x32xf32, #tpu.memory_space<vmem>>
      %dma_wait3A_183 = arith.constant 0 : i32
      %dma_wait3A_184 = tpu.memref_slice %arg5[%add3A_177, %dma_wait3A_183] : memref<128x200xi32, #tpu.memory_space<vmem>> -> memref<1x200xi32, #tpu.memory_space<vmem>>
      %dma_wait3A_185 = tpu.memref_squeeze %dma_wait3A_184 : memref<1x200xi32, #tpu.memory_space<vmem>> -> memref<200xi32, #tpu.memory_space<vmem>>
      %dma_wait3A_186 = arith.constant 0 : i32
      %dma_wait3A_187 = arith.constant 0 : i32
      %dma_wait3A_188 = tpu.memref_slice %arg3[%dma_wait3A_186, %dma_wait3A_187] : memref<1000000x32xf32, #tpu.memory_space<hbm>> -> memref<1000000x32xf32, #tpu.memory_space<hbm>>
      tpu.wait_indirect_dma semaphore(%arg8 : memref<!tpu.dma_semaphore, #tpu.memory_space<semaphore_mem>>) src(%dma_wait3A_188 : memref<1000000x32xf32, #tpu.memory_space<hbm>>) dst(%dma_wait3A_182 : memref<200x32xf32, #tpu.memory_space<vmem>>)
      %mul3A_189 = arith.constant 4 : i32
      %mul3A_190 = arith.muli %mul3A_64, %mul3A_189 : i32
      %add3A_191 = arith.addi %mul3A_2, %mul3A_190 : i32
      %dma_start3A_192 = arith.constant 0 : i32
      %dma_start3A_193 = arith.constant 0 : i32
      %dma_start3A_194 = tpu.memref_slice %arg4[%add3A_191, %dma_start3A_192, %dma_start3A_193] : memref<4096x200x32xf32, #tpu.memory_space<hbm>> -> memref<4x200x32xf32, #tpu.memory_space<hbm>>
      %dma_start3A_195 = arith.constant 0 : i32
      %dma_start3A_196 = arith.constant 0 : i32
      %dma_start3A_197 = tpu.memref_slice %arg4[%add3A_191, %dma_start3A_195, %dma_start3A_196] : memref<4096x200x32xf32, #tpu.memory_space<hbm>> -> memref<4x200x32xf32, #tpu.memory_space<hbm>>
      tpu.enqueue_dma source(%arg6 : memref<4x200x32xf32, #tpu.memory_space<vmem>>) target(%dma_start3A_197 : memref<4x200x32xf32, #tpu.memory_space<hbm>>) target_semaphore(%arg10 : memref<!tpu.dma_semaphore, #tpu.memory_space<semaphore_mem>>)
      %mul3A_198 = arith.constant 4 : i32
      %mul3A_199 = arith.muli %add3A_66, %mul3A_198 : i32
      %add3A_200 = arith.constant 0 : i32
      %add3A_201 = arith.addi %mul3A_199, %add3A_200 : i32
      %dma_wait3A_202 = arith.constant 0 : i32
      %dma_wait3A_203 = arith.constant 0 : i32
      %dma_wait3A_204 = arith.constant 0 : i32
      %dma_wait3A_205 = tpu.memref_slice %arg7[%dma_wait3A_202, %dma_wait3A_203, %dma_wait3A_204] : memref<4x200x32xf32, #tpu.memory_space<vmem>> -> memref<1x200x32xf32, #tpu.memory_space<vmem>>
      %dma_wait3A_206 = tpu.memref_squeeze %dma_wait3A_205 : memref<1x200x32xf32, #tpu.memory_space<vmem>> -> memref<200x32xf32, #tpu.memory_space<vmem>>
      %dma_wait3A_207 = arith.constant 0 : i32
      %dma_wait3A_208 = tpu.memref_slice %arg5[%add3A_201, %dma_wait3A_207] : memref<128x200xi32, #tpu.memory_space<vmem>> -> memref<1x200xi32, #tpu.memory_space<vmem>>
      %dma_wait3A_209 = tpu.memref_squeeze %dma_wait3A_208 : memref<1x200xi32, #tpu.memory_space<vmem>> -> memref<200xi32, #tpu.memory_space<vmem>>
      %dma_wait3A_210 = arith.constant 0 : i32
      %dma_wait3A_211 = arith.constant 0 : i32
      %dma_wait3A_212 = tpu.memref_slice %arg3[%dma_wait3A_210, %dma_wait3A_211] : memref<1000000x32xf32, #tpu.memory_space<hbm>> -> memref<1000000x32xf32, #tpu.memory_space<hbm>>
      tpu.wait_indirect_dma semaphore(%arg9 : memref<!tpu.dma_semaphore, #tpu.memory_space<semaphore_mem>>) src(%dma_wait3A_212 : memref<1000000x32xf32, #tpu.memory_space<hbm>>) dst(%dma_wait3A_206 : memref<200x32xf32, #tpu.memory_space<vmem>>)
      %mul3A_213 = arith.constant 4 : i32
      %mul3A_214 = arith.muli %add3A_66, %mul3A_213 : i32
      %add3A_215 = arith.constant 1 : i32
      %add3A_216 = arith.addi %mul3A_214, %add3A_215 : i32
      %dma_wait3A_217 = arith.constant 1 : i32
      %dma_wait3A_218 = arith.constant 0 : i32
      %dma_wait3A_219 = arith.constant 0 : i32
      %dma_wait3A_220 = tpu.memref_slice %arg7[%dma_wait3A_217, %dma_wait3A_218, %dma_wait3A_219] : memref<4x200x32xf32, #tpu.memory_space<vmem>> -> memref<1x200x32xf32, #tpu.memory_space<vmem>>
      %dma_wait3A_221 = tpu.memref_squeeze %dma_wait3A_220 : memref<1x200x32xf32, #tpu.memory_space<vmem>> -> memref<200x32xf32, #tpu.memory_space<vmem>>
      %dma_wait3A_222 = arith.constant 0 : i32
      %dma_wait3A_223 = tpu.memref_slice %arg5[%add3A_216, %dma_wait3A_222] : memref<128x200xi32, #tpu.memory_space<vmem>> -> memref<1x200xi32, #tpu.memory_space<vmem>>
      %dma_wait3A_224 = tpu.memref_squeeze %dma_wait3A_223 : memref<1x200xi32, #tpu.memory_space<vmem>> -> memref<200xi32, #tpu.memory_space<vmem>>
      %dma_wait3A_225 = arith.constant 0 : i32
      %dma_wait3A_226 = arith.constant 0 : i32
      %dma_wait3A_227 = tpu.memref_slice %arg3[%dma_wait3A_225, %dma_wait3A_226] : memref<1000000x32xf32, #tpu.memory_space<hbm>> -> memref<1000000x32xf32, #tpu.memory_space<hbm>>
      tpu.wait_indirect_dma semaphore(%arg9 : memref<!tpu.dma_semaphore, #tpu.memory_space<semaphore_mem>>) src(%dma_wait3A_227 : memref<1000000x32xf32, #tpu.memory_space<hbm>>) dst(%dma_wait3A_221 : memref<200x32xf32, #tpu.memory_space<vmem>>)
      %mul3A_228 = arith.constant 4 : i32
      %mul3A_229 = arith.muli %add3A_66, %mul3A_228 : i32
      %add3A_230 = arith.constant 2 : i32
      %add3A_231 = arith.addi %mul3A_229, %add3A_230 : i32
      %dma_wait3A_232 = arith.constant 2 : i32
      %dma_wait3A_233 = arith.constant 0 : i32
      %dma_wait3A_234 = arith.constant 0 : i32
      %dma_wait3A_235 = tpu.memref_slice %arg7[%dma_wait3A_232, %dma_wait3A_233, %dma_wait3A_234] : memref<4x200x32xf32, #tpu.memory_space<vmem>> -> memref<1x200x32xf32, #tpu.memory_space<vmem>>
      %dma_wait3A_236 = tpu.memref_squeeze %dma_wait3A_235 : memref<1x200x32xf32, #tpu.memory_space<vmem>> -> memref<200x32xf32, #tpu.memory_space<vmem>>
      %dma_wait3A_237 = arith.constant 0 : i32
      %dma_wait3A_238 = tpu.memref_slice %arg5[%add3A_231, %dma_wait3A_237] : memref<128x200xi32, #tpu.memory_space<vmem>> -> memref<1x200xi32, #tpu.memory_space<vmem>>
      %dma_wait3A_239 = tpu.memref_squeeze %dma_wait3A_238 : memref<1x200xi32, #tpu.memory_space<vmem>> -> memref<200xi32, #tpu.memory_space<vmem>>
      %dma_wait3A_240 = arith.constant 0 : i32
      %dma_wait3A_241 = arith.constant 0 : i32
      %dma_wait3A_242 = tpu.memref_slice %arg3[%dma_wait3A_240, %dma_wait3A_241] : memref<1000000x32xf32, #tpu.memory_space<hbm>> -> memref<1000000x32xf32, #tpu.memory_space<hbm>>
      tpu.wait_indirect_dma semaphore(%arg9 : memref<!tpu.dma_semaphore, #tpu.memory_space<semaphore_mem>>) src(%dma_wait3A_242 : memref<1000000x32xf32, #tpu.memory_space<hbm>>) dst(%dma_wait3A_236 : memref<200x32xf32, #tpu.memory_space<vmem>>)
      %mul3A_243 = arith.constant 4 : i32
      %mul3A_244 = arith.muli %add3A_66, %mul3A_243 : i32
      %add3A_245 = arith.constant 3 : i32
      %add3A_246 = arith.addi %mul3A_244, %add3A_245 : i32
      %dma_wait3A_247 = arith.constant 3 : i32
      %dma_wait3A_248 = arith.constant 0 : i32
      %dma_wait3A_249 = arith.constant 0 : i32
      %dma_wait3A_250 = tpu.memref_slice %arg7[%dma_wait3A_247, %dma_wait3A_248, %dma_wait3A_249] : memref<4x200x32xf32, #tpu.memory_space<vmem>> -> memref<1x200x32xf32, #tpu.memory_space<vmem>>
      %dma_wait3A_251 = tpu.memref_squeeze %dma_wait3A_250 : memref<1x200x32xf32, #tpu.memory_space<vmem>> -> memref<200x32xf32, #tpu.memory_space<vmem>>
      %dma_wait3A_252 = arith.constant 0 : i32
      %dma_wait3A_253 = tpu.memref_slice %arg5[%add3A_246, %dma_wait3A_252] : memref<128x200xi32, #tpu.memory_space<vmem>> -> memref<1x200xi32, #tpu.memory_space<vmem>>
      %dma_wait3A_254 = tpu.memref_squeeze %dma_wait3A_253 : memref<1x200xi32, #tpu.memory_space<vmem>> -> memref<200xi32, #tpu.memory_space<vmem>>
      %dma_wait3A_255 = arith.constant 0 : i32
      %dma_wait3A_256 = arith.constant 0 : i32
      %dma_wait3A_257 = tpu.memref_slice %arg3[%dma_wait3A_255, %dma_wait3A_256] : memref<1000000x32xf32, #tpu.memory_space<hbm>> -> memref<1000000x32xf32, #tpu.memory_space<hbm>>
      tpu.wait_indirect_dma semaphore(%arg9 : memref<!tpu.dma_semaphore, #tpu.memory_space<semaphore_mem>>) src(%dma_wait3A_257 : memref<1000000x32xf32, #tpu.memory_space<hbm>>) dst(%dma_wait3A_251 : memref<200x32xf32, #tpu.memory_space<vmem>>)
      %mul3A_258 = arith.constant 4 : i32
      %mul3A_259 = arith.muli %mul3A_64, %mul3A_258 : i32
      %add3A_260 = arith.addi %mul3A_2, %mul3A_259 : i32
      %dma_wait3A_261 = arith.constant 0 : i32
      %dma_wait3A_262 = arith.constant 0 : i32
      %dma_wait3A_263 = tpu.memref_slice %arg4[%add3A_260, %dma_wait3A_261, %dma_wait3A_262] : memref<4096x200x32xf32, #tpu.memory_space<hbm>> -> memref<4x200x32xf32, #tpu.memory_space<hbm>>
      %dma_wait3A_264 = arith.constant 0 : i32
      %dma_wait3A_265 = arith.constant 0 : i32
      %dma_wait3A_266 = tpu.memref_slice %arg4[%add3A_260, %dma_wait3A_264, %dma_wait3A_265] : memref<4096x200x32xf32, #tpu.memory_space<hbm>> -> memref<4x200x32xf32, #tpu.memory_space<hbm>>
      tpu.wait_dma2 semaphore(%arg10 : memref<!tpu.dma_semaphore, #tpu.memory_space<semaphore_mem>>) src(%arg6 : memref<4x200x32xf32, #tpu.memory_space<vmem>>) dst(%dma_wait3A_266 : memref<4x200x32xf32, #tpu.memory_space<hbm>>)
      %lt3A = arith.constant 15 : i32
      %lt3A_267 = arith.cmpi slt, %scan3A_62, %lt3A : i32
      %convert_element_type3A_268 = arith.extui %lt3A_267 : i1 to i32
      %cond3A_269 = arith.constant 0 : i32
      %cond3A_270 = arith.cmpi ne, %convert_element_type3A_268, %cond3A_269 : i32
      scf.if %cond3A_270 {
        %add3A_280 = arith.constant 2 : i32
        %add3A_281 = arith.addi %mul3A_64, %add3A_280 : i32
        %mul3A_282 = arith.constant 4 : i32
        %mul3A_283 = arith.muli %add3A_281, %mul3A_282 : i32
        %add3A_284 = arith.constant 0 : i32
        %add3A_285 = arith.addi %mul3A_283, %add3A_284 : i32
        %dma_start3A_286 = arith.constant 0 : i32
        %dma_start3A_287 = arith.constant 0 : i32
        %dma_start3A_288 = arith.constant 0 : i32
        %dma_start3A_289 = tpu.memref_slice %arg6[%dma_start3A_286, %dma_start3A_287, %dma_start3A_288] : memref<4x200x32xf32, #tpu.memory_space<vmem>> -> memref<1x200x32xf32, #tpu.memory_space<vmem>>
        %dma_start3A_290 = tpu.memref_squeeze %dma_start3A_289 : memref<1x200x32xf32, #tpu.memory_space<vmem>> -> memref<200x32xf32, #tpu.memory_space<vmem>>
        %dma_start3A_291 = arith.constant 0 : i32
        %dma_start3A_292 = tpu.memref_slice %arg5[%add3A_285, %dma_start3A_291] : memref<128x200xi32, #tpu.memory_space<vmem>> -> memref<1x200xi32, #tpu.memory_space<vmem>>
        %dma_start3A_293 = tpu.memref_squeeze %dma_start3A_292 : memref<1x200xi32, #tpu.memory_space<vmem>> -> memref<200xi32, #tpu.memory_space<vmem>>
        %dma_start3A_294 = arith.constant 0 : i32
        %dma_start3A_295 = arith.constant 0 : i32
        %dma_start3A_296 = tpu.memref_slice %arg3[%dma_start3A_294, %dma_start3A_295] : memref<1000000x32xf32, #tpu.memory_space<hbm>> -> memref<1000000x32xf32, #tpu.memory_space<hbm>>
        tpu.enqueue_indirect_dma source(%dma_start3A_296 : memref<1000000x32xf32, #tpu.memory_space<hbm>>) target(%dma_start3A_290 : memref<200x32xf32, #tpu.memory_space<vmem>>) offsets(%dma_start3A_293 : memref<200xi32, #tpu.memory_space<vmem>>) semaphore(%arg8 : memref<!tpu.dma_semaphore, #tpu.memory_space<semaphore_mem>>)
        %add3A_297 = arith.constant 2 : i32
        %add3A_298 = arith.addi %mul3A_64, %add3A_297 : i32
        %mul3A_299 = arith.constant 4 : i32
        %mul3A_300 = arith.muli %add3A_298, %mul3A_299 : i32
        %add3A_301 = arith.constant 1 : i32
        %add3A_302 = arith.addi %mul3A_300, %add3A_301 : i32
        %dma_start3A_303 = arith.constant 1 : i32
        %dma_start3A_304 = arith.constant 0 : i32
        %dma_start3A_305 = arith.constant 0 : i32
        %dma_start3A_306 = tpu.memref_slice %arg6[%dma_start3A_303, %dma_start3A_304, %dma_start3A_305] : memref<4x200x32xf32, #tpu.memory_space<vmem>> -> memref<1x200x32xf32, #tpu.memory_space<vmem>>
        %dma_start3A_307 = tpu.memref_squeeze %dma_start3A_306 : memref<1x200x32xf32, #tpu.memory_space<vmem>> -> memref<200x32xf32, #tpu.memory_space<vmem>>
        %dma_start3A_308 = arith.constant 0 : i32
        %dma_start3A_309 = tpu.memref_slice %arg5[%add3A_302, %dma_start3A_308] : memref<128x200xi32, #tpu.memory_space<vmem>> -> memref<1x200xi32, #tpu.memory_space<vmem>>
        %dma_start3A_310 = tpu.memref_squeeze %dma_start3A_309 : memref<1x200xi32, #tpu.memory_space<vmem>> -> memref<200xi32, #tpu.memory_space<vmem>>
        %dma_start3A_311 = arith.constant 0 : i32
        %dma_start3A_312 = arith.constant 0 : i32
        %dma_start3A_313 = tpu.memref_slice %arg3[%dma_start3A_311, %dma_start3A_312] : memref<1000000x32xf32, #tpu.memory_space<hbm>> -> memref<1000000x32xf32, #tpu.memory_space<hbm>>
        tpu.enqueue_indirect_dma source(%dma_start3A_313 : memref<1000000x32xf32, #tpu.memory_space<hbm>>) target(%dma_start3A_307 : memref<200x32xf32, #tpu.memory_space<vmem>>) offsets(%dma_start3A_310 : memref<200xi32, #tpu.memory_space<vmem>>) semaphore(%arg8 : memref<!tpu.dma_semaphore, #tpu.memory_space<semaphore_mem>>)
        %add3A_314 = arith.constant 2 : i32
        %add3A_315 = arith.addi %mul3A_64, %add3A_314 : i32
        %mul3A_316 = arith.constant 4 : i32
        %mul3A_317 = arith.muli %add3A_315, %mul3A_316 : i32
        %add3A_318 = arith.constant 2 : i32
        %add3A_319 = arith.addi %mul3A_317, %add3A_318 : i32
        %dma_start3A_320 = arith.constant 2 : i32
        %dma_start3A_321 = arith.constant 0 : i32
        %dma_start3A_322 = arith.constant 0 : i32
        %dma_start3A_323 = tpu.memref_slice %arg6[%dma_start3A_320, %dma_start3A_321, %dma_start3A_322] : memref<4x200x32xf32, #tpu.memory_space<vmem>> -> memref<1x200x32xf32, #tpu.memory_space<vmem>>
        %dma_start3A_324 = tpu.memref_squeeze %dma_start3A_323 : memref<1x200x32xf32, #tpu.memory_space<vmem>> -> memref<200x32xf32, #tpu.memory_space<vmem>>
        %dma_start3A_325 = arith.constant 0 : i32
        %dma_start3A_326 = tpu.memref_slice %arg5[%add3A_319, %dma_start3A_325] : memref<128x200xi32, #tpu.memory_space<vmem>> -> memref<1x200xi32, #tpu.memory_space<vmem>>
        %dma_start3A_327 = tpu.memref_squeeze %dma_start3A_326 : memref<1x200xi32, #tpu.memory_space<vmem>> -> memref<200xi32, #tpu.memory_space<vmem>>
        %dma_start3A_328 = arith.constant 0 : i32
        %dma_start3A_329 = arith.constant 0 : i32
        %dma_start3A_330 = tpu.memref_slice %arg3[%dma_start3A_328, %dma_start3A_329] : memref<1000000x32xf32, #tpu.memory_space<hbm>> -> memref<1000000x32xf32, #tpu.memory_space<hbm>>
        tpu.enqueue_indirect_dma source(%dma_start3A_330 : memref<1000000x32xf32, #tpu.memory_space<hbm>>) target(%dma_start3A_324 : memref<200x32xf32, #tpu.memory_space<vmem>>) offsets(%dma_start3A_327 : memref<200xi32, #tpu.memory_space<vmem>>) semaphore(%arg8 : memref<!tpu.dma_semaphore, #tpu.memory_space<semaphore_mem>>)
        %add3A_331 = arith.constant 2 : i32
        %add3A_332 = arith.addi %mul3A_64, %add3A_331 : i32
        %mul3A_333 = arith.constant 4 : i32
        %mul3A_334 = arith.muli %add3A_332, %mul3A_333 : i32
        %add3A_335 = arith.constant 3 : i32
        %add3A_336 = arith.addi %mul3A_334, %add3A_335 : i32
        %dma_start3A_337 = arith.constant 3 : i32
        %dma_start3A_338 = arith.constant 0 : i32
        %dma_start3A_339 = arith.constant 0 : i32
        %dma_start3A_340 = tpu.memref_slice %arg6[%dma_start3A_337, %dma_start3A_338, %dma_start3A_339] : memref<4x200x32xf32, #tpu.memory_space<vmem>> -> memref<1x200x32xf32, #tpu.memory_space<vmem>>
        %dma_start3A_341 = tpu.memref_squeeze %dma_start3A_340 : memref<1x200x32xf32, #tpu.memory_space<vmem>> -> memref<200x32xf32, #tpu.memory_space<vmem>>
        %dma_start3A_342 = arith.constant 0 : i32
        %dma_start3A_343 = tpu.memref_slice %arg5[%add3A_336, %dma_start3A_342] : memref<128x200xi32, #tpu.memory_space<vmem>> -> memref<1x200xi32, #tpu.memory_space<vmem>>
        %dma_start3A_344 = tpu.memref_squeeze %dma_start3A_343 : memref<1x200xi32, #tpu.memory_space<vmem>> -> memref<200xi32, #tpu.memory_space<vmem>>
        %dma_start3A_345 = arith.constant 0 : i32
        %dma_start3A_346 = arith.constant 0 : i32
        %dma_start3A_347 = tpu.memref_slice %arg3[%dma_start3A_345, %dma_start3A_346] : memref<1000000x32xf32, #tpu.memory_space<hbm>> -> memref<1000000x32xf32, #tpu.memory_space<hbm>>
        tpu.enqueue_indirect_dma source(%dma_start3A_347 : memref<1000000x32xf32, #tpu.memory_space<hbm>>) target(%dma_start3A_341 : memref<200x32xf32, #tpu.memory_space<vmem>>) offsets(%dma_start3A_344 : memref<200xi32, #tpu.memory_space<vmem>>) semaphore(%arg8 : memref<!tpu.dma_semaphore, #tpu.memory_space<semaphore_mem>>)
      } else {
      }
      %mul3A_271 = arith.constant 4 : i32
      %mul3A_272 = arith.muli %add3A_66, %mul3A_271 : i32
      %add3A_273 = arith.addi %mul3A_2, %mul3A_272 : i32
      %dma_start3A_274 = arith.constant 0 : i32
      %dma_start3A_275 = arith.constant 0 : i32
      %dma_start3A_276 = tpu.memref_slice %arg4[%add3A_273, %dma_start3A_274, %dma_start3A_275] : memref<4096x200x32xf32, #tpu.memory_space<hbm>> -> memref<4x200x32xf32, #tpu.memory_space<hbm>>
      %dma_start3A_277 = arith.constant 0 : i32
      %dma_start3A_278 = arith.constant 0 : i32
      %dma_start3A_279 = tpu.memref_slice %arg4[%add3A_273, %dma_start3A_277, %dma_start3A_278] : memref<4096x200x32xf32, #tpu.memory_space<hbm>> -> memref<4x200x32xf32, #tpu.memory_space<hbm>>
      tpu.enqueue_dma source(%arg7 : memref<4x200x32xf32, #tpu.memory_space<vmem>>) target(%dma_start3A_279 : memref<4x200x32xf32, #tpu.memory_space<hbm>>) target_semaphore(%arg11 : memref<!tpu.dma_semaphore, #tpu.memory_space<semaphore_mem>>)
    }
    %scan3A_54 = arith.constant 16 : i32
    %add3A_55 = arith.constant 124 : i32
    %add3A_56 = arith.addi %mul3A_2, %add3A_55 : i32
    %dma_wait3A = arith.constant 0 : i32
    %dma_wait3A_57 = arith.constant 0 : i32
    %dma_wait3A_58 = tpu.memref_slice %arg4[%add3A_56, %dma_wait3A, %dma_wait3A_57] : memref<4096x200x32xf32, #tpu.memory_space<hbm>> -> memref<4x200x32xf32, #tpu.memory_space<hbm>>
    %dma_wait3A_59 = arith.constant 0 : i32
    %dma_wait3A_60 = arith.constant 0 : i32
    %dma_wait3A_61 = tpu.memref_slice %arg4[%add3A_56, %dma_wait3A_59, %dma_wait3A_60] : memref<4096x200x32xf32, #tpu.memory_space<hbm>> -> memref<4x200x32xf32, #tpu.memory_space<hbm>>
    tpu.wait_dma2 semaphore(%arg11 : memref<!tpu.dma_semaphore, #tpu.memory_space<semaphore_mem>>) src(%arg7 : memref<4x200x32xf32, #tpu.memory_space<vmem>>) dst(%dma_wait3A_61 : memref<4x200x32xf32, #tpu.memory_space<hbm>>)
    return
  }
}

</mosaic_0001>

<sc_bundles>
// kernel: _embed.3.cloned.1.call-start
scs
__scs_entry_jumppad:
0x0: {  	(pc) =	sbr.rel $0x88, $3  }
0x1: {  	(tag) =	ssettag $0x0;
	lr =	simm.s32 $0x1  }
0x2: {  	[smem:$0x3F9F] =	sst lr;
	_ =	strace $0xD0000000  }
0x3: {  	_ = 	snop  }
0x4: {  	_ = 	snop  }
0x5: {  	_ = 	snop  }
0x6: {  	_ = 	snop  }
0x7: {  	_ = 	snop  }
__scs_overlays_trampoline_lowered:
0x8: {  	[smem:$0x3FAE] =	sst s0  }
0x9: {  	[smem:$0x3FAF] =	sst s1  }
0xa: {  	[smem:$0x3FB0] =	sst s2  }
0xb: {  	[smem:$0x3FB1] =	sst s3  }
0xc: {  	[smem:$0x3FB2] =	sst s4  }
0xd: {  	[smem:$0x3FB3] =	sst s5  }
0xe: {  	[smem:$0x3FB4] =	sst s6  }
0xf: {  	[smem:$0x3FB5] =	sst s7  }
0x10: {  	[smem:$0x3FB6] =	sst s8  }
0x11: {  	[smem:$0x3FB7] =	sst s9;
	s0 =	simm.s32 @!p0 $0x0  }
0x12: {  	s1 =	sld [smem:$0x3F9D];
	s0 =	simm.s32 @p0 $0x1  }
0x13: {  	[smem:$0x3FB8] =	sst s0;
	s0 =	simm.s32 @!p1 $0x0  }
0x14: {  	s2 =	sld [smem:$0x3F9C];
	s0 =	simm.s32 @p1 $0x1  }
0x15: {  	[smem:$0x3FB9] =	sst s0;
	s0 =	simm.s32 @!p2 $0x0  }
0x16: {  	s3 =	sld [smem:$0x3FDB];
	s0 =	simm.s32 @p2 $0x1  }
0x17: {  	s4 =	simm.s32 $0x1BF5;
	[smem:$0x3FBB] =	sst s0  }
0x18: {  	s0 =	sld [smem:$0x3F9E];
	_ =	swait.ge [sflag:s4], $0x0  }
0x19: {  	s7 =	sld [smem:$0x3F9F]  }
0x1a: {  	s8 =	sadd.s32 $0xFFFFE003, lr  }
0x1b: {  	s9 =	sadd.s32 $0xFFFFFEF7, lr;
	s5 =	simm.s32 $0xFFFFFFFF;
	p2 =	slt.u32 s8, $0xFFFFF086  }
0x1c: {  	p1 =	slt.u32 s9, $0xF7A;
	s5 =	simm.s32 @!p2 $0x0  }
0x1d: {  	s5 =	simm.s32 @p1 $0x1;
	p0 =	seq.s32 s7, s2  }
0x1e: {  	s7 =	smul.u32 @!p0 $0xF7A, s2;
	p2 =	seq.s32 @!p0 s5, $0x0  }
0x1f: {  	s9 =	smul.u32 $0xF7A, s1;
	s8 =	simm.s32 @!p0 $0x1BF5;
	p2 =	por !p2, p0  }
0x20: {  	[sflag:s8] =	ssyncset.s32 @!p0 $0xFFFFF086;
	s6 =	sadd.s32 @!p0 s3, s7;
	s7 =	simm.s32 @!p0 $0x108  }
0x21: {  	s3 =	sadd.s32 s3, s9;
	s6 =	sadd.s32 @!p0 $0x88, s6;
	s7 =	simm.s32 @p2 $0x1082  }
0x22: {  	[simem:s7], [sflag:s8] =	dma.local @!p0 [hbm:s6], $0xF7A  }
0x23: {  	s9 =	sor.u32 $0xD0000000, s2;
	s6 =	simm.s32 $0x108;
	_ =	swait.ge @!p0 [sflag:s8], $0x0  }
0x24: {  	s3 =	sadd.s32 $0x88, s3;
	s6 =	simm.s32 @!p1 $0x1082;
	[sflag:s4] =	ssyncset.s32 $0xFFFFF086  }
0x25: {  	[simem:s6], [sflag:s4] =	dma.local [hbm:s3], $0xF7A  }
0x26: {  	[smem:$0x3F9F] =	sst s1;
	(tag) =	ssettag s2;
	_ =	strace s9  }
0x27: {  	s1 =	sld [smem:$0x3FAF]  }
0x28: {  	s2 =	sld [smem:$0x3FB0]  }
0x29: {  	s4 =	sld [smem:$0x3FB2]  }
0x2a: {  	p0 =	seq.s32 s5, $0x0;
	s5 =	sld [smem:$0x3FB3]  }
0x2b: {  	s6 =	sld [smem:$0x3FB4]  }
0x2c: {  	s7 =	sld [smem:$0x3FB5]  }
0x2d: {  	s3 =	simm.s32 $0x108;
	s8 =	sld [smem:$0x3FB6]  }
0x2e: {  	s3 =	simm.s32 @!p0 $0x1082;
	s9 =	sld [smem:$0x3FB7]  }
0x2f: {  	lr =	sadd.s32 s0, s3;
	s0 =	sld [smem:$0x3FAE]  }
0x30: {  	s3 =	sld [smem:$0x3FB1]  }
0x31: {  	[smem:$0x3FBA] =	sst s10  }
0x32: {  	s10 =	sld [smem:$0x3FB8];
	_ =	sdelay $0x3  }
0x33: {  	p0 =	seq.s32 s10, $0x1;
	s10 =	sld [smem:$0x3FBA];
	_ =	sdelay $0x3  }
0x34: {  	[smem:$0x3FBA] =	sst s10  }
0x35: {  	s10 =	sld [smem:$0x3FB9];
	_ =	sdelay $0x3  }
0x36: {  	p1 =	seq.s32 s10, $0x1;
	s10 =	sld [smem:$0x3FBA];
	_ =	sdelay $0x3  }
0x37: {  	[smem:$0x3FBA] =	sst s10  }
0x38: {  	s10 =	sld [smem:$0x3FBB]  }
0x39: {  	_ = 	snop;
	(pc) =	sbr.ind lr, $3  }
0x3a: {  	_ = 	snop  }
0x3b: {  	_ = 	snop  }
0x3c: {  	p2 =	seq.s32 s10, $0x1;
	s10 =	sld [smem:$0x3FBA]  }
0x3d: {  	_ =	shalt  }
0x3e: {  	_ =	shalt  }
0x3f: {  	_ =	shalt  }
0x40: {  	_ =	shalt  }
0x41: {  	_ =	shalt  }
0x42: {  	_ =	shalt  }
0x43: {  	_ =	shalt  }
0x44: {  	_ =	shalt  }
0x45: {  	_ =	shalt  }
0x46: {  	_ =	shalt  }
0x47: {  	_ =	shalt  }
0x48: {  	_ =	shalt  }
0x49: {  	_ =	shalt  }
0x4a: {  	_ =	shalt  }
0x4b: {  	_ =	shalt  }
0x4c: {  	_ =	shalt  }
0x4d: {  	_ =	shalt  }
0x4e: {  	_ =	shalt  }
0x4f: {  	_ =	shalt  }
0x50: {  	_ =	shalt  }
0x51: {  	_ =	shalt  }
0x52: {  	_ =	shalt  }
0x53: {  	_ =	shalt  }
0x54: {  	_ =	shalt  }
0x55: {  	_ =	shalt  }
0x56: {  	_ =	shalt  }
0x57: {  	_ =	shalt  }
0x58: {  	_ =	shalt  }
0x59: {  	_ =	shalt  }
0x5a: {  	_ =	shalt  }
0x5b: {  	_ =	shalt  }
0x5c: {  	_ =	shalt  }
0x5d: {  	_ =	shalt  }
0x5e: {  	_ =	shalt  }
0x5f: {  	_ =	shalt  }
0x60: {  	_ =	shalt  }
0x61: {  	_ =	shalt  }
0x62: {  	_ =	shalt  }
0x63: {  	_ =	shalt  }
0x64: {  	_ =	shalt  }
0x65: {  	_ =	shalt  }
0x66: {  	_ =	shalt  }
0x67: {  	_ =	shalt  }
0x68: {  	_ =	shalt  }
0x69: {  	_ =	shalt  }
0x6a: {  	_ =	shalt  }
0x6b: {  	_ =	shalt  }
0x6c: {  	_ =	shalt  }
0x6d: {  	_ =	shalt  }
0x6e: {  	_ =	shalt  }
0x6f: {  	_ =	shalt  }
0x70: {  	_ =	shalt  }
0x71: {  	_ =	shalt  }
0x72: {  	_ =	shalt  }
0x73: {  	_ =	shalt  }
0x74: {  	_ =	shalt  }
0x75: {  	_ =	shalt  }
0x76: {  	_ =	shalt  }
0x77: {  	_ =	shalt  }
0x78: {  	_ =	shalt  }
0x79: {  	_ =	shalt  }
0x7a: {  	_ =	shalt  }
0x7b: {  	_ =	shalt  }
0x7c: {  	_ =	shalt  }
0x7d: {  	_ =	shalt  }
0x7e: {  	_ =	shalt  }
0x7f: {  	_ =	shalt  }
0x80: {  	_ =	shalt  }
0x81: {  	_ =	shalt  }
0x82: {  	_ =	shalt  }
0x83: {  	_ =	shalt  }
0x84: {  	_ =	shalt  }
0x85: {  	_ =	shalt  }
0x86: {  	_ =	shalt  }
0x87: {  	_ =	shalt  }
.Lfunc_end0:
.L_simem_size_0:
called_computation.1_lowered:
.L_overlay_start_0:
0x88: {  	s2 =	sld [smem:$0x3FD9]  }
0x89: {  	s3 =	sld [smem:$0x3FFE];
	_ =	sdelay $0x1  }
0x8a: {  	s1 =	srdreg.scid  }
0x8b: {  	s0 =	sand.u32 $0x1, s1  }
0x8c: {  	s17 =	sshll.u32 s0, $0xA;
	s2 =	sadd.s32 s3, s2  }
0x8d: {  	s2 =	sadd.s32 s2, s17  }
0x8e: {  	[smem:$0x3FC6] =	sst s2  }
0x8f: {  	_ = 	snop  }
0x90: {  	s2 =	sld [smem:$0x3FD0];
	(tm) =	ssettm $0x1  }
0x91: {  	s18 =	sld [smem:$0x3FFB];
	_ =	sdelay $0x3  }
0x92: {  	_ =	strace s18  }
0x93: {  	s3 =	sld [smem:$0x3FFC];
	_ =	sdelay $0x3  }
0x94: {  	_ =	strace s3  }
0x95: {  	s3 =	sld [smem:$0x3FFD];
	_ =	sdelay $0x3  }
0x96: {  	_ =	strace s3  }
0x97: {  	_ =	strace $0x8FFFFFFF  }
0x98: {  	s19 =	sld [smem:$0x3FDB];
	_ =	sdelay $0x1  }
0x99: {  	s4 =	simm.s32 $_scs_section_size  }
0x9a: {  	s5 =	simm.s32 $_size__tile_overlayer_lowered;
	s6 =	simm.s32 $_tile_overlayer_lowered  }
0x9b: {  	s22 =	simm.s32 $0x1BFF;
	s21 =	sshll.u32 s6, $0x1;
	s3 =	sadd.s32 s4, s19  }
0x9c: {  	s7 =	simm.s32 $0x0;
	s20 =	sshll.u32 s5, $0x1;
	s5 =	sadd.s32 s21, s3  }
0x9d: {  	[timem:s7], [sflag:s22] =	dma.local [hbm:s5], s20  }
0x9e: {  	_ =	swait.ge [sflag:s22], s20  }
0x9f: {  	s4 =	ssub.s32 $0x0, s20;
	[sflag:s22] =	ssyncset.done $0x0  }
0xa0: {  	[sflag:s22] =	ssyncadd.s32 s4;
	_ =	sdelay $0x1  }
0xa1: {  	s23 =	simm.s32 $0x1B8B  }
0xa2: {  	_ =	swait.ge [sflag:s23], $0x1  }
0xa3: {  	[sflag:s23] =	ssyncset.done $0x0  }
0xa4: {  	s25 =	simm.s32 $0x1B8E;
	s24 =	sld [smem:$0x3FFE];
	[sflag:s23] =	ssyncadd.s32 $0xFFFFFFFF  }
0xa5: {  	s26 =	simm.s32 $execute0_lowered;
	[smem:$0x3FD2] =	sst s25  }
0xa6: {  	s5 =	sshll.u32 s26, $0x1;
	_ =	strace $0x80000046;
	[dreg:$0x1] =	wrdreg $0xFFFFFFFF  }
0xa7: {  	s28 =	simm.s32 $_size_execute0_lowered;
	s3 =	sadd.s32 s3, s5;
	[dreg:$0x0] =	wrdreg $0x0  }
0xa8: {  	s5 =	sshll.u32 s28, $0x1;
	[dreg:$0x2] =	wrdreg s3  }
0xa9: {  	[dreg:$0x3] =	wrdreg s5  }
0xaa: {  	[dreg:$0x4] =	wrdreg $0xC0  }
0xab: {  	_ =	task [dreg:s7], $0x5FFFF  }
0xac: {  	[dreg:$0x1] =	wrdreg $0xFFFFFFFF  }
0xad: {  	[dreg:$0x0] =	wrdreg $0x60  }
0xae: {  	[dreg:$0x2] =	wrdreg s24  }
0xaf: {  	[dreg:$0x3] =	wrdreg s2  }
0xb0: {  	[dreg:$0x4] =	wrdreg $0x9  }
0xb1: {  	_ =	task.clear_ibuf [dreg:s7], $0x5FFFF;
	_ =	strace $0x90000046  }
0xb2: {  	s29 =	simm.s32 $0x9;
	_ =	strace $0x80000048  }
0xb3: {  	_ =	swait.ge [sflag:s29], $0x1  }
0xb4: {  	[sflag:s29] =	ssyncadd.s32 $0xFFFFFFFF  }
0xb5: {  	_ =	strace $0x90000048  }
0xb6: {  	_ =	sfence  }
0xb7: {  	s30 =	sld [smem:$0x0];
	_ =	sdelay $0x2  }
0xb8: {  	s31 =	sshll.u32 s1, $0xD;
	s1 =	sshrl.u32 s1, $0x2  }
0xb9: {  	s3 =	sand.u32 $0x4000, s31;
	s1 =	sadd.s32 s1, s30  }
0xba: {  	s0 =	sor.u32 s3, s0;
	s1 =	sshll.u32 s1, $0x11  }
0xbb: {  	s0 =	sor.u32 s1, s0  }
0xbc: {  	s0 =	sadd.s32 $0x8F2B, s0  }
0xbd: {  	[sflag:s0] =	ssyncadd.remote.s32 $0x1  }
0xbe: {  	_ =	sfence.sel $0xFFFF  }
0xbf: {  	[dreg:$0x0] =	wrdreg $0xFFFFFFFF;
	(pc) =	sbr.abs _section_cstart, $3  }
0xc0: {  	[dreg:$0x1] =	wrdreg $0xFFFFFFFF  }
0xc1: {  	_ =	task.clear_ibuf [dreg:s7], $0x2FFFF;
	_ =	strace $0x9FFFFFFF  }
0xc2: {  	(tm) =	ssettm $0x7FFFFFFF  }
0xc3: {  	_ =	shalt  }
tec
execute0_lowered:
.L_overlay_start_1:
0x0: {  	(tag) =	ssettag $0x1  }
0x1: {  	s0 =	srdreg.scid;
	s1 =	rddreg [dreg:$0x0]  }
0x2: {  	s8 =	stileid.u32;
	s10 =	rddreg [dreg:$0x1]  }
0x3: {  	s2 =	simm.s32 $0x0;
	s12 =	simm.s32 $0xC8;
	s13 =	simm.s32 $0x6400  }
0x4: {  	s14 =	simm.s32 $0x7D00;
	s16 =	simm.s32 $0x9600;
	s18 =	simm.s32 $0xAF00  }
0x5: {  	s20 =	simm.s32 $0xC800;
	s22 =	simm.s32 $0xE100;
	s24 =	simm.s32 $0xFA00  }
0x6: {  	s28 =	simm.s32 $0x1;
	s29 =	simm.s32 $0x2;
	s30 =	simm.s32 $0x3  }
0x7: {  	s15 =	simm.s32 $0x898;
	s17 =	simm.s32 $0x4;
	s19 =	simm.s32 $0x60E0  }
0x8: {  	s21 =	simm.s32 $0x0;
	s0 =	sand.u32 $0x1, s0;
	s3 =	sshll.u32 s8, $0x8  }
0x9: {  	[smem:$0x7FF] =	sst s2;
	s11 =	smul.u32 $0x32000, s8;
	s4 =	sshll.u32 s0, $0x7  }
0xa: {  	s5 =	ssub.s32 $0x2, s0;
	s0 =	smul.u32 $0x19000, s0;
	s3 =	sor.u32 s4, s3  }
0xb: {  	_ =	strace $0x80000047;
	s6 =	sshrl.u32 s5, $0x1;
	s4 =	smul.u32 $0x19, s3  }
0xc: {  	s31 =	sadd.s32 s11, s10;
	s7 =	smul.u32 $0x320, s3;
	s26 =	ssub.s32 s5, s6  }
0xd: {  	s11 =	simm.s32 $0x5;
	s3 =	sadd.s32 $0xF42E00, s1;
	s6 =	smax.u32 s26, $0x1  }
0xe: {  	s26 =	simm.s32 $0x11300;
	s4 =	sadd.s32 s4, s1;
	s5 =	sadd.s32 s10, s7  }
0xf: {  	s10 =	sadd.s32 s0, s31;
	s0 =	simm.s32 $0x7D0;
	s4 =	sadd.s32 $0xA00, s4  }
0x10: {  	s7 =	sadd.s32 $0xC80, s5;
	s8 =	sadd.s32 $0x17700, s5;
	s9 =	sadd.s32 $0x18380, s5  }
.LBB2_1:
0x11: {  	[tilespmem:s2], [sflag:$0x5] =	stream.linear.gather [hbm4b:s4+s2], $0x6400, $0x38;
	[tilespmem:$0x12C00] =	vst v63  }
0x12: {  	_ =	swait.ge [sflag:s11], $0x6400  }
0x13: {  	[sflag:s11] =	ssyncset.done $0x0  }
0x14: {  	[sflag:s11] =	ssyncadd.s32 $0xFFFF9C00  }
0x15: {  	[tilespmem:s13], [sflag:$0x1] =	stream.indirect.gather [hbm4b:s3+s12], $0x20, s2, s12, $0xb8;
	[tilespmem:$0x12C00] =	vst v63  }
0x16: {  	_ = 	snop  }
0x17: {  	[tilespmem:s14], [sflag:$0x1] =	stream.indirect.gather [hbm4b:s3+s12], $0x20, s12, s12, $0xb8;
	[tilespmem:$0x12C00] =	vst v63  }
0x18: {  	s1 =	simm.s32 $0x190  }
0x19: {  	[tilespmem:s16], [sflag:$0x1] =	stream.indirect.gather [hbm4b:s3+s12], $0x20, s1, s12, $0xb8;
	[tilespmem:$0x12C00] =	vst v63  }
0x1a: {  	s25 =	simm.s32 $0x258  }
0x1b: {  	[tilespmem:s18], [sflag:$0x1] =	stream.indirect.gather [hbm4b:s3+s12], $0x20, s25, s12, $0xb8;
	[tilespmem:$0x12C00] =	vst v63  }
0x1c: {  	s31 =	simm.s32 $0x320  }
0x1d: {  	[tilespmem:s20], [sflag:$0x2] =	stream.indirect.gather [hbm4b:s3+s12], $0x20, s31, s12, $0xb8;
	[tilespmem:$0x12C00] =	vst v63  }
0x1e: {  	s23 =	simm.s32 $0x3E8  }
0x1f: {  	[tilespmem:s22], [sflag:$0x2] =	stream.indirect.gather [hbm4b:s3+s12], $0x20, s23, s12, $0xb8;
	[tilespmem:$0x12C00] =	vst v63  }
0x20: {  	s25 =	simm.s32 $0x4B0  }
0x21: {  	[tilespmem:s24], [sflag:$0x2] =	stream.indirect.gather [hbm4b:s3+s12], $0x20, s25, s12, $0xb8;
	[tilespmem:$0x12C00] =	vst v63  }
0x22: {  	s31 =	simm.s32 $0x578  }
0x23: {  	[tilespmem:s26], [sflag:$0x2] =	stream.indirect.gather [hbm4b:s3+s12], $0x20, s31, s12, $0xb8;
	[tilespmem:$0x12C00] =	vst v63  }
0x24: {  	_ =	swait.ge [sflag:s28], $0x1900  }
0x25: {  	[sflag:s28] =	ssyncset.done $0x0  }
0x26: {  	[sflag:s28] =	ssyncadd.s32 $0xFFFFE700  }
0x27: {  	_ =	swait.ge [sflag:s28], $0x1900  }
0x28: {  	[sflag:s28] =	ssyncset.done $0x0  }
0x29: {  	[sflag:s28] =	ssyncadd.s32 $0xFFFFE700  }
0x2a: {  	_ =	swait.ge [sflag:s28], $0x1900  }
0x2b: {  	[sflag:s28] =	ssyncset.done $0x0  }
0x2c: {  	[sflag:s28] =	ssyncadd.s32 $0xFFFFE700  }
0x2d: {  	_ =	swait.ge [sflag:s28], $0x1900  }
0x2e: {  	[sflag:s28] =	ssyncset.done $0x0  }
0x2f: {  	[sflag:s28] =	ssyncadd.s32 $0xFFFFE700  }
0x30: {  	[hbm4b:s5+s2] =	stream.linear.scatter [tilespmem:s13], [sflag:$0x3], $0x6400, $0x38;
	[tilespmem:$0x12C00] =	vst v63  }
0x31: {  	_ =	swait.ge [sflag:s29], $0x1900  }
0x32: {  	[sflag:s29] =	ssyncset.done $0x0  }
0x33: {  	[sflag:s29] =	ssyncadd.s32 $0xFFFFE700  }
0x34: {  	_ =	swait.ge [sflag:s29], $0x1900  }
0x35: {  	[sflag:s29] =	ssyncset.done $0x0  }
0x36: {  	[sflag:s29] =	ssyncadd.s32 $0xFFFFE700  }
0x37: {  	_ =	swait.ge [sflag:s29], $0x1900  }
0x38: {  	[sflag:s29] =	ssyncset.done $0x0  }
0x39: {  	[sflag:s29] =	ssyncadd.s32 $0xFFFFE700  }
0x3a: {  	_ =	swait.ge [sflag:s29], $0x1900  }
0x3b: {  	[sflag:s29] =	ssyncset.done $0x0  }
0x3c: {  	[sflag:s29] =	ssyncadd.s32 $0xFFFFE700  }
0x3d: {  	_ =	swait.ge [sflag:s30], $0x6400  }
0x3e: {  	[sflag:s30] =	ssyncset.done $0x0  }
0x3f: {  	s23 =	simm.s32 $0x640;
	[sflag:s30] =	ssyncadd.s32 $0xFFFF9C00  }
0x40: {  	[tilespmem:s13], [sflag:$0x1] =	stream.indirect.gather [hbm4b:s3+s12], $0x20, s23, s12, $0xb8;
	[tilespmem:$0x12C00] =	vst v63  }
0x41: {  	s25 =	simm.s32 $0x708  }
0x42: {  	[tilespmem:s14], [sflag:$0x1] =	stream.indirect.gather [hbm4b:s3+s12], $0x20, s25, s12, $0xb8;
	[tilespmem:$0x12C00] =	vst v63  }
0x43: {  	_ = 	snop  }
0x44: {  	[tilespmem:s16], [sflag:$0x1] =	stream.indirect.gather [hbm4b:s3+s12], $0x20, s0, s12, $0xb8;
	[tilespmem:$0x12C00] =	vst v63  }
0x45: {  	_ = 	snop  }
0x46: {  	[tilespmem:s18], [sflag:$0x1] =	stream.indirect.gather [hbm4b:s3+s12], $0x20, s15, s12, $0xb8;
	[tilespmem:$0x12C00] =	vst v63  }
0x47: {  	_ = 	snop  }
0x48: {  	[hbm4b:s7+s2] =	stream.linear.scatter [tilespmem:s20], [sflag:$0x4], $0x6400, $0x38;
	[tilespmem:$0x12C00] =	vst v63  }
0x49: {  	_ =	swait.ge [sflag:s17], $0x6400  }
0x4a: {  	[sflag:s17] =	ssyncset.done $0x0  }
0x4b: {  	s23 =	simm.s32 $0x960;
	[sflag:s17] =	ssyncadd.s32 $0xFFFF9C00  }
0x4c: {  	[tilespmem:s20], [sflag:$0x2] =	stream.indirect.gather [hbm4b:s3+s12], $0x20, s23, s12, $0xb8;
	[tilespmem:$0x12C00] =	vst v63  }
0x4d: {  	s31 =	simm.s32 $0xA28  }
0x4e: {  	[tilespmem:s22], [sflag:$0x2] =	stream.indirect.gather [hbm4b:s3+s12], $0x20, s31, s12, $0xb8;
	[tilespmem:$0x12C00] =	vst v63  }
0x4f: {  	s1 =	simm.s32 $0xAF0  }
0x50: {  	[tilespmem:s24], [sflag:$0x2] =	stream.indirect.gather [hbm4b:s3+s12], $0x20, s1, s12, $0xb8;
	[tilespmem:$0x12C00] =	vst v63  }
0x51: {  	s25 =	simm.s32 $0xBB8  }
0x52: {  	[tilespmem:s26], [sflag:$0x2] =	stream.indirect.gather [hbm4b:s3+s12], $0x20, s25, s12, $0xb8;
	[tilespmem:$0x12C00] =	vst v63  }
0x53: {  	_ =	swait.ge [sflag:s28], $0x1900  }
0x54: {  	[sflag:s28] =	ssyncset.done $0x0  }
0x55: {  	[sflag:s28] =	ssyncadd.s32 $0xFFFFE700  }
0x56: {  	_ =	swait.ge [sflag:s28], $0x1900  }
0x57: {  	[sflag:s28] =	ssyncset.done $0x0  }
0x58: {  	[sflag:s28] =	ssyncadd.s32 $0xFFFFE700  }
0x59: {  	_ =	swait.ge [sflag:s28], $0x1900  }
0x5a: {  	[sflag:s28] =	ssyncset.done $0x0  }
0x5b: {  	[sflag:s28] =	ssyncadd.s32 $0xFFFFE700  }
0x5c: {  	_ =	swait.ge [sflag:s28], $0x1900  }
0x5d: {  	s25 =	sadd.s32 $0x0, s10;
	[sflag:s28] =	ssyncset.done $0x0  }
0x5e: {  	s31 =	sadd.s32 $0x1900, s25;
	[sflag:s28] =	ssyncadd.s32 $0xFFFFE700  }
0x5f: {  	[hbm4b:s31+s2] =	stream.linear.scatter [tilespmem:s13], [sflag:$0x3], $0x6400, $0x38;
	[tilespmem:$0x12C00] =	vst v63  }
0x60: {  	_ =	swait.ge [sflag:s29], $0x1900  }
0x61: {  	[sflag:s29] =	ssyncset.done $0x0  }
0x62: {  	[sflag:s29] =	ssyncadd.s32 $0xFFFFE700  }
0x63: {  	_ =	swait.ge [sflag:s29], $0x1900  }
0x64: {  	[sflag:s29] =	ssyncset.done $0x0  }
0x65: {  	[sflag:s29] =	ssyncadd.s32 $0xFFFFE700  }
0x66: {  	_ =	swait.ge [sflag:s29], $0x1900  }
0x67: {  	[sflag:s29] =	ssyncset.done $0x0  }
0x68: {  	[sflag:s29] =	ssyncadd.s32 $0xFFFFE700  }
0x69: {  	_ =	swait.ge [sflag:s29], $0x1900  }
0x6a: {  	[sflag:s29] =	ssyncset.done $0x0  }
0x6b: {  	[sflag:s29] =	ssyncadd.s32 $0xFFFFE700  }
0x6c: {  	_ =	swait.ge [sflag:s30], $0x6400  }
0x6d: {  	[sflag:s30] =	ssyncset.done $0x0  }
0x6e: {  	s1 =	simm.s32 $0xC80;
	[sflag:s30] =	ssyncadd.s32 $0xFFFF9C00  }
0x6f: {  	[tilespmem:s13], [sflag:$0x1] =	stream.indirect.gather [hbm4b:s3+s12], $0x20, s1, s12, $0xb8;
	[tilespmem:$0x12C00] =	vst v63  }
0x70: {  	s31 =	simm.s32 $0xD48  }
0x71: {  	[tilespmem:s14], [sflag:$0x1] =	stream.indirect.gather [hbm4b:s3+s12], $0x20, s31, s12, $0xb8;
	[tilespmem:$0x12C00] =	vst v63  }
0x72: {  	s1 =	simm.s32 $0xE10  }
0x73: {  	[tilespmem:s16], [sflag:$0x1] =	stream.indirect.gather [hbm4b:s3+s12], $0x20, s1, s12, $0xb8;
	[tilespmem:$0x12C00] =	vst v63  }
0x74: {  	s23 =	simm.s32 $0x1900;
	s25 =	sadd.s32 $0x2580, s25;
	s31 =	simm.s32 $0xED8  }
0x75: {  	[tilespmem:s18], [sflag:$0x1] =	stream.indirect.gather [hbm4b:s3+s12], $0x20, s31, s12, $0xb8;
	[tilespmem:$0x12C00] =	vst v63  }
.LBB2_2:
0x76: {  	[hbm4b:s25+s2] =	stream.linear.scatter [tilespmem:s20], [sflag:$0x4], $0x6400, $0x38;
	[tilespmem:$0x12C00] =	vst v63  }
0x77: {  	s31 =	smov.u32 s23;
	s23 =	sadd.s32 $0x1900, s23;
	_ =	swait.ge [sflag:s17], $0x6400  }
0x78: {  	s25 =	sshra.s32 s31, $0x2;
	p0 =	sne.s32 s23, $0x15E00;
	[sflag:s17] =	ssyncset.done $0x0  }
0x79: {  	s1 =	sadd.s32 $0x960, s25;
	[sflag:s17] =	ssyncadd.s32 $0xFFFF9C00  }
0x7a: {  	[tilespmem:s20], [sflag:$0x2] =	stream.indirect.gather [hbm4b:s3+s12], $0x20, s1, s12, $0xb8;
	[tilespmem:$0x12C00] =	vst v63  }
0x7b: {  	s1 =	sadd.s32 $0xA28, s25  }
0x7c: {  	[tilespmem:s22], [sflag:$0x2] =	stream.indirect.gather [hbm4b:s3+s12], $0x20, s1, s12, $0xb8;
	[tilespmem:$0x12C00] =	vst v63  }
0x7d: {  	s1 =	sadd.s32 $0xAF0, s25  }
0x7e: {  	[tilespmem:s24], [sflag:$0x2] =	stream.indirect.gather [hbm4b:s3+s12], $0x20, s1, s12, $0xb8;
	[tilespmem:$0x12C00] =	vst v63  }
0x7f: {  	s1 =	sadd.s32 $0xBB8, s25  }
0x80: {  	[tilespmem:s26], [sflag:$0x2] =	stream.indirect.gather [hbm4b:s3+s12], $0x20, s1, s12, $0xb8;
	[tilespmem:$0x12C00] =	vst v63  }
0x81: {  	_ =	swait.ge [sflag:s28], $0x1900  }
0x82: {  	[sflag:s28] =	ssyncset.done $0x0  }
0x83: {  	[sflag:s28] =	ssyncadd.s32 $0xFFFFE700  }
0x84: {  	_ =	swait.ge [sflag:s28], $0x1900  }
0x85: {  	[sflag:s28] =	ssyncset.done $0x0  }
0x86: {  	[sflag:s28] =	ssyncadd.s32 $0xFFFFE700  }
0x87: {  	_ =	swait.ge [sflag:s28], $0x1900  }
0x88: {  	[sflag:s28] =	ssyncset.done $0x0  }
0x89: {  	[sflag:s28] =	ssyncadd.s32 $0xFFFFE700  }
0x8a: {  	_ =	swait.ge [sflag:s28], $0x1900  }
0x8b: {  	s1 =	sadd.s32 s31, s10;
	[sflag:s28] =	ssyncset.done $0x0  }
0x8c: {  	s31 =	sadd.s32 $0x1900, s1;
	[sflag:s28] =	ssyncadd.s32 $0xFFFFE700  }
0x8d: {  	[hbm4b:s31+s2] =	stream.linear.scatter [tilespmem:s13], [sflag:$0x3], $0x6400, $0x38;
	[tilespmem:$0x12C00] =	vst v63  }
0x8e: {  	_ =	swait.ge [sflag:s29], $0x1900  }
0x8f: {  	[sflag:s29] =	ssyncset.done $0x0  }
0x90: {  	[sflag:s29] =	ssyncadd.s32 $0xFFFFE700  }
0x91: {  	_ =	swait.ge [sflag:s29], $0x1900  }
0x92: {  	[sflag:s29] =	ssyncset.done $0x0  }
0x93: {  	[sflag:s29] =	ssyncadd.s32 $0xFFFFE700  }
0x94: {  	_ =	swait.ge [sflag:s29], $0x1900  }
0x95: {  	[sflag:s29] =	ssyncset.done $0x0  }
0x96: {  	[sflag:s29] =	ssyncadd.s32 $0xFFFFE700  }
0x97: {  	_ =	swait.ge [sflag:s29], $0x1900  }
0x98: {  	[sflag:s29] =	ssyncset.done $0x0  }
0x99: {  	[sflag:s29] =	ssyncadd.s32 $0xFFFFE700  }
0x9a: {  	_ =	swait.ge [sflag:s30], $0x6400  }
0x9b: {  	[sflag:s30] =	ssyncset.done $0x0  }
0x9c: {  	s31 =	sadd.s32 $0xC80, s25;
	[sflag:s30] =	ssyncadd.s32 $0xFFFF9C00  }
0x9d: {  	[tilespmem:s13], [sflag:$0x1] =	stream.indirect.gather [hbm4b:s3+s12], $0x20, s31, s12, $0xb8;
	[tilespmem:$0x12C00] =	vst v63  }
0x9e: {  	s31 =	sadd.s32 $0xD48, s25  }
0x9f: {  	[tilespmem:s14], [sflag:$0x1] =	stream.indirect.gather [hbm4b:s3+s12], $0x20, s31, s12, $0xb8;
	[tilespmem:$0x12C00] =	vst v63  }
.Ltmp0:
0xa0: {  	s31 =	sadd.s32 $0xE10, s25;
	(pc) =	sbr.rel @p0 .LBB2_2-.Ltmp0, $4  }
0xa1: {  	[tilespmem:s16], [sflag:$0x1] =	stream.indirect.gather [hbm4b:s3+s12], $0x20, s31, s12, $0xb8;
	[tilespmem:$0x12C00] =	vst v63  }
0xa2: {  	s25 =	sadd.s32 $0xED8, s25  }
0xa3: {  	[tilespmem:s18], [sflag:$0x1] =	stream.indirect.gather [hbm4b:s3+s12], $0x20, s25, s12, $0xb8;
	[tilespmem:$0x12C00] =	vst v63  }
0xa4: {  	s25 =	sadd.s32 $0x2580, s1  }
0xa5: {  	[hbm4b:s25+s2] =	stream.linear.scatter [tilespmem:s20], [sflag:$0x4], $0x6400, $0x38;
	[tilespmem:$0x12C00] =	vst v63  }
0xa6: {  	_ =	swait.ge [sflag:s17], $0x6400  }
0xa7: {  	[sflag:s17] =	ssyncset.done $0x0  }
0xa8: {  	s1 =	sshra.s32 s23, $0x2;
	[sflag:s17] =	ssyncadd.s32 $0xFFFF9C00  }
0xa9: {  	[tilespmem:s20], [sflag:$0x2] =	stream.indirect.gather [hbm4b:s3+s12], $0x20, s19, s12, $0xb8;
	[tilespmem:$0x12C00] =	vst v63  }
0xaa: {  	s23 =	sadd.s32 $0xA28, s1  }
0xab: {  	[tilespmem:s22], [sflag:$0x2] =	stream.indirect.gather [hbm4b:s3+s12], $0x20, s23, s12, $0xb8;
	[tilespmem:$0x12C00] =	vst v63  }
0xac: {  	s31 =	sadd.s32 $0xAF0, s1  }
0xad: {  	[tilespmem:s24], [sflag:$0x2] =	stream.indirect.gather [hbm4b:s3+s12], $0x20, s31, s12, $0xb8;
	[tilespmem:$0x12C00] =	vst v63  }
0xae: {  	s1 =	sadd.s32 $0xBB8, s1  }
0xaf: {  	[tilespmem:s26], [sflag:$0x2] =	stream.indirect.gather [hbm4b:s3+s12], $0x20, s1, s12, $0xb8;
	[tilespmem:$0x12C00] =	vst v63  }
0xb0: {  	_ =	swait.ge [sflag:s28], $0x1900  }
0xb1: {  	[sflag:s28] =	ssyncset.done $0x0  }
0xb2: {  	[sflag:s28] =	ssyncadd.s32 $0xFFFFE700  }
0xb3: {  	_ =	swait.ge [sflag:s28], $0x1900  }
0xb4: {  	[sflag:s28] =	ssyncset.done $0x0  }
0xb5: {  	[sflag:s28] =	ssyncadd.s32 $0xFFFFE700  }
0xb6: {  	_ =	swait.ge [sflag:s28], $0x1900  }
0xb7: {  	[sflag:s28] =	ssyncset.done $0x0  }
0xb8: {  	[sflag:s28] =	ssyncadd.s32 $0xFFFFE700  }
0xb9: {  	_ =	swait.ge [sflag:s28], $0x1900  }
0xba: {  	[sflag:s28] =	ssyncset.done $0x0  }
0xbb: {  	[sflag:s28] =	ssyncadd.s32 $0xFFFFE700  }
0xbc: {  	[hbm4b:s8+s2] =	stream.linear.scatter [tilespmem:s13], [sflag:$0x3], $0x6400, $0x38;
	[tilespmem:$0x12C00] =	vst v63  }
0xbd: {  	_ =	swait.ge [sflag:s29], $0x1900  }
0xbe: {  	[sflag:s29] =	ssyncset.done $0x0  }
0xbf: {  	[sflag:s29] =	ssyncadd.s32 $0xFFFFE700  }
0xc0: {  	_ =	swait.ge [sflag:s29], $0x1900  }
0xc1: {  	[sflag:s29] =	ssyncset.done $0x0  }
0xc2: {  	[sflag:s29] =	ssyncadd.s32 $0xFFFFE700  }
0xc3: {  	_ =	swait.ge [sflag:s29], $0x1900  }
0xc4: {  	[sflag:s29] =	ssyncset.done $0x0  }
0xc5: {  	[sflag:s29] =	ssyncadd.s32 $0xFFFFE700  }
0xc6: {  	_ =	swait.ge [sflag:s29], $0x1900  }
0xc7: {  	[sflag:s29] =	ssyncset.done $0x0  }
0xc8: {  	[sflag:s29] =	ssyncadd.s32 $0xFFFFE700  }
0xc9: {  	s21 =	sadd.s32 $0x1, s21;
	_ =	swait.ge [sflag:s30], $0x6400  }
0xca: {  	p0 =	sne.s32 s21, s6;
	[sflag:s30] =	ssyncset.done $0x0  }
.Ltmp1:
0xcb: {  	[sflag:s30] =	ssyncadd.s32 $0xFFFF9C00;
	(pc) =	sbr.rel @p0 .LBB2_1-.Ltmp1, $4  }
0xcc: {  	[hbm4b:s9+s2] =	stream.linear.scatter [tilespmem:s20], [sflag:$0x4], $0x6400, $0x38;
	[tilespmem:$0x12C00] =	vst v63  }
0xcd: {  	_ =	swait.ge [sflag:s17], $0x6400  }
0xce: {  	[sflag:s17] =	ssyncset.done $0x0  }
0xcf: {  	[sflag:s17] =	ssyncadd.s32 $0xFFFF9C00  }
0xd0: {  	_ =	sfence.sel $0x180000  }
0xd1: {  	[bflag:$0x0] =	sbarrier.arrive $0xFFFF  }
0xd2: {  	_ =	strace $0x90000047  }
0xd3: {  	s0 =	stileid.u32;
	[bflag:$0x2] =	sbarrier.arrive $0xFFFF  }
0xd4: {  	p0 =	sne.s32 s0, $0x0;
	s0 =	rddreg [dreg:$0x2]  }
0xd5: {  	s0 =	sadd.s32 @!p0 $0x100000, s0  }
0xd6: {  	[sflag:s0] =	ssyncadd.tile.s32 @!p0 $0x1;
	_ =	shalt  }
.Lfunc_end2:
_tile_overlayer_lowered:
.L_overlay_start_2:
0xd7: {  	(tag) =	ssettag $0x2  }
0xd8: {  	s0 =	rddreg [dreg:$0x0];
	s2 =	stileid.u32  }
0xd9: {  	s1 =	rddreg [dreg:$0x1];
	p0 =	sne.s32 s2, $0x0  }
0xda: {  	s3 =	rddreg [dreg:$0x2];
	[bflag:$0x3] =	sbarrier.arrive $0xFFFF;
	s2 =	simm.s32 @!p0 $0x1C05  }
0xdb: {  	[timem:s3], [sflag:s2] =	dma.local @!p0 [hbm:s0], s1  }
0xdc: {  	s0 =	simm.s32 @!p0 $0x5  }
0xdd: {  	_ =	swait.ge @!p0 [sflag:s0], s1  }
0xde: {  	s1 =	ssub.s32 @!p0 $0x0, s1;
	[sflag:s0] =	ssyncset.done @!p0 $0x0  }
0xdf: {  	[sflag:s0] =	ssyncadd.s32 @!p0 s1  }
0xe0: {  	[bflag:$0x3] =	sbarrier.arrive $0xFFFF  }
0xe1: {  	_ =	shalt  }

// kernel: sparse-core-data-format-call.cloned.1.call-start
scs
called_computation_lowered:
.L_overlay_start_0:
0x0: {  	s2 =	sld [smem:$0x3FD9]  }
0x1: {  	s3 =	sld [smem:$0x3FFE];
	_ =	sdelay $0x1  }
0x2: {  	s1 =	srdreg.scid  }
0x3: {  	s0 =	sand.u32 $0x1, s1  }
0x4: {  	s18 =	sshll.u32 s0, $0xA;
	s2 =	sadd.s32 s3, s2  }
0x5: {  	s2 =	sadd.s32 s2, s18  }
0x6: {  	[smem:$0x3FC6] =	sst s2  }
0x7: {  	_ = 	snop  }
0x8: {  	s2 =	sld [smem:$0x3FD0];
	(tm) =	ssettm $0x1  }
0x9: {  	s19 =	sld [smem:$0x3FFB];
	_ =	sdelay $0x3  }
0xa: {  	_ =	strace s19  }
0xb: {  	s3 =	sld [smem:$0x3FFC];
	_ =	sdelay $0x3  }
0xc: {  	_ =	strace s3  }
0xd: {  	s3 =	sld [smem:$0x3FFD];
	_ =	sdelay $0x3  }
0xe: {  	_ =	strace s3  }
0xf: {  	_ =	strace $0x8FFFFFFF  }
0x10: {  	s20 =	sld [smem:$0x3FDB];
	_ =	sdelay $0x1  }
0x11: {  	s4 =	simm.s32 $_scs_section_size  }
0x12: {  	s5 =	simm.s32 $_size__tile_overlayer_lowered;
	s6 =	simm.s32 $_tile_overlayer_lowered  }
0x13: {  	s23 =	simm.s32 $0x1BFF;
	s22 =	sshll.u32 s6, $0x1;
	s3 =	sadd.s32 s4, s20  }
0x14: {  	s7 =	simm.s32 $0x0;
	s21 =	sshll.u32 s5, $0x1;
	s5 =	sadd.s32 s22, s3  }
0x15: {  	[timem:s7], [sflag:s23] =	dma.local [hbm:s5], s21  }
0x16: {  	_ =	swait.ge [sflag:s23], s21  }
0x17: {  	s4 =	ssub.s32 $0x0, s21;
	[sflag:s23] =	ssyncset.done $0x0  }
0x18: {  	[sflag:s23] =	ssyncadd.s32 s4;
	_ =	sdelay $0x1  }
0x19: {  	s24 =	simm.s32 $0x1B8B  }
0x1a: {  	_ =	swait.ge [sflag:s24], $0x1  }
0x1b: {  	[sflag:s24] =	ssyncset.done $0x0  }
0x1c: {  	s26 =	simm.s32 $0x1B8E;
	s25 =	sld [smem:$0x3FFE];
	[sflag:s24] =	ssyncadd.s32 $0xFFFFFFFF  }
0x1d: {  	s27 =	simm.s32 $execute0_lowered;
	[smem:$0x3FD2] =	sst s26  }
0x1e: {  	s5 =	sshll.u32 s27, $0x1;
	_ =	strace $0x80000049;
	[dreg:$0x1] =	wrdreg $0xFFFFFFFF  }
0x1f: {  	s28 =	simm.s32 $_size_execute0_lowered;
	s3 =	sadd.s32 s3, s5;
	[dreg:$0x0] =	wrdreg $0x0  }
0x20: {  	s5 =	sshll.u32 s28, $0x1;
	[dreg:$0x2] =	wrdreg s3  }
0x21: {  	[dreg:$0x3] =	wrdreg s5  }
0x22: {  	[dreg:$0x4] =	wrdreg $0xC0  }
0x23: {  	_ =	task [dreg:s7], $0x5FFFF  }
0x24: {  	[dreg:$0x1] =	wrdreg $0xFFFFFFFF  }
0x25: {  	[dreg:$0x0] =	wrdreg $0x60  }
0x26: {  	[dreg:$0x2] =	wrdreg s25  }
0x27: {  	[dreg:$0x3] =	wrdreg s2  }
0x28: {  	[dreg:$0x4] =	wrdreg $0x9  }
0x29: {  	_ =	task.clear_ibuf [dreg:s7], $0x5FFFF;
	_ =	strace $0x90000049  }
0x2a: {  	s29 =	simm.s32 $0x9;
	_ =	strace $0x8000004B  }
0x2b: {  	_ =	swait.ge [sflag:s29], $0x1  }
0x2c: {  	[sflag:s29] =	ssyncadd.s32 $0xFFFFFFFF  }
0x2d: {  	_ =	strace $0x9000004B  }
0x2e: {  	_ =	sfence  }
0x2f: {  	s30 =	sld [smem:$0x0];
	_ =	sdelay $0x2  }
0x30: {  	s31 =	sshll.u32 s1, $0xD;
	s1 =	sshrl.u32 s1, $0x2  }
0x31: {  	s3 =	sand.u32 $0x4000, s31;
	s1 =	sadd.s32 s1, s30  }
0x32: {  	s0 =	sor.u32 s3, s0;
	s1 =	sshll.u32 s1, $0x11  }
0x33: {  	s0 =	sor.u32 s1, s0  }
0x34: {  	s0 =	sadd.s32 $0x8F2B, s0  }
0x35: {  	[sflag:s0] =	ssyncadd.remote.s32 $0x1  }
0x36: {  	_ =	sfence.sel $0xFFFF  }
0x37: {  	[dreg:$0x0] =	wrdreg $0xFFFFFFFF;
	(pc) =	sbr.abs _section_cstart, $3  }
0x38: {  	[dreg:$0x1] =	wrdreg $0xFFFFFFFF  }
0x39: {  	_ =	task.clear_ibuf [dreg:s7], $0x2FFFF;
	_ =	strace $0x9FFFFFFF  }
0x3a: {  	(tm) =	ssettm $0x7FFFFFFF  }
0x3b: {  	_ =	shalt  }
tec
execute0_lowered:
.L_overlay_start_1:
0x0: {  	(tag) =	ssettag $0x1  }
0x1: {  	s0 =	srdreg.scid  }
0x2: {  	s1 =	sshll.u32 s0, $0x4  }
0x3: {  	s0 =	stileid.u32;
	s1 =	sand.u32 $0x10, s1  }
0x4: {  	s1 =	sor.u32 s0, s1  }
0x5: {  	s6 =	rddreg [dreg:$0x0];
	s4 =	simm.s32 $0x1;
	s2 =	sshll.u32 s1, $0x7  }
0x6: {  	s7 =	simm.s32 $0x2;
	s12 =	simm.s32 $0x0;
	s1 =	ssub.s32 $0x1000, s2  }
0x7: {  	s8 =	simm.s32 $0x8000;
	s13 =	simm.s32 $0x0;
	s3 =	sand.u32 $0xF80, s1  }
0x8: {  	s9 =	simm.s32 $0x0;
	s5 =	sshrl.u32 s1, $0xC;
	p0 =	sne.s32 s3, $0x0  }
.Ltmp0:
0x9: {  	s1 =	rddreg [dreg:$0x2];
	s4 =	simm.s32 @!p0 $0x0;
	(pc) =	sbr.rel .LBB1_1-.Ltmp0, $4  }
0xa: {  	s11 =	simm.s32 $0x0;
	s3 =	rddreg [dreg:$0x1];
	s5 =	sadd.s32 s4, s5  }
0xb: {  	_ =	strace $0x8000004A;
	s4 =	simm.s32 $0x1;
	s5 =	smul.u32 $0xC8, s5  }
0xc: {  	s6 =	sadd.s32 $0xA00, s6;
	s10 =	smov.u32 s2;
	[sflag:s4] =	ssyncpa.u1 $0x0  }
0xd: {  	p0 =	por $0x0, $0x0;
	[sflag:s7] =	ssyncpa.u1 $0x0;
	s7 =	sor.u32 $0x1, s5  }
.LBB1_4:
0xe: {  	s16 =	sshll.u32 s13, $0x3;
	s17 =	sand.u32 $0x78, s13  }
0xf: {  	s30 =	sand.u32 $0x3E00, s13;
	s12 =	sshll.u32 s12, $0xE;
	s16 =	sand.u32 $0xC00, s16  }
0x10: {  	s31 =	sand.u32 $0x7, s13;
	s16 =	sor.u32 s17, s16;
	s17 =	sadd.s32 s3, s30  }
0x11: {  	s13 =	sshll.u32 s31, $0x12;
	s16 =	sshrl.u32 s16, $0x3;
	s12 =	sadd.s32 s12, s17  }
0x12: {  	[tilespmem:s15+$0x0 ss:$0x81] =	vst.msk $0xffff, v0;
	s13 =	sor.u32 $0x400, s13;
	s12 =	sadd.s32 s16, s12  }
0x13: {  	[hbm4b:s12+s13] =	stream.strided.scatter [tilespmem:s14], [sflag:$0x2], $0x1000, s8, s13, $0x20;
	[tilespmem:$0x4040] =	vst v63  }
.LBB1_5:
0x14: {  	s14 =	sadd.s32 $0x1, s9  }
0x15: {  	s12 =	sadd.s32 $0x1000, s10;
	s16 =	smov.u32 s10;
	p2 =	sgt.s32 s14, $0xC7  }
0x16: {  	s16 =	smov.u32 @p2 s12  }
0x17: {  	s14 =	simm.s32 @p2 $0x0;
	p2 =	sgt.s32 s16, $0xFFF  }
0x18: {  	s16 =	smov.u32 @p2 s2;
	p2 =	sne.s32 s11, s7  }
.Ltmp1:
0x19: {  	p1 =	slt.u32 s11, $0x2;
	(pc) =	sbr.rel @!p2 .LBB1_6-.Ltmp1, $4  }
0x1a: {  	s15 =	simm.s32 @!p1 $0x2  }
0x1b: {  	s13 =	smov.u32 s10;
	p0 =	por !p0, !p0;
	_ =	swait.ge @!p1 [sflag:s15], $0x1000  }
0x1c: {  	s12 =	smov.u32 s9;
	[sflag:s15] =	ssyncset.done @!p1 $0x0;
	s9 =	smov.u32 s14  }
0x1d: {  	s11 =	sadd.s32 $0x1, s11;
	[sflag:s15] =	ssyncadd.s32 @!p1 $0xFFFFF000;
	s10 =	smov.u32 s16  }
.LBB1_1:
0x1e: {  	p1 =	sge.u32 s11, s5  }
0x1f: {  	s14 =	sand.u32 @!p1 $0x1FFFFFF, s9  }
0x20: {  	s15 =	smulhi.u32 @!p1 $0x147AE15, s14;
	_ =	sdelay $0x1  }
0x21: {  	s15 =	smul.u32 @!p1 $0xC8, s15  }
0x22: {  	s16 =	sxor.u32 @!p1 $0xFFFFFFFF, s11;
	s17 =	smul.u32 @!p1 $0xC80, s10  }
0x23: {  	s31 =	sadd.s32 $0xFFFFFFFF, s11;
	s16 =	sshll.u32 @!p1 s16, $0xC;
	s14 =	ssub.s32 @!p1 s14, s15  }
0x24: {  	s15 =	sand.u32 @!p1 $0x1000, s16;
	s16 =	sadd.s32 @!p1 s6, s17;
	s14 =	sshll.u32 @!p1 s14, $0x4  }
0x25: {  	s17 =	simm.s32 @!p1 $0x6400;
	s14 =	sadd.s32 @!p1 s14, s16;
	s16 =	simm.s32 @!p1 $0x20  }
0x26: {  	[tilespmem:s15], [sflag:$0x1] =	stream.strided.gather @!p1 [hbm4b:s14+s16], $0x1000, s17, s16, $0x38;
	[tilespmem:$0x4040] =	vst v63  }
0x27: {  	p1 =	sge.u32 s31, s5  }
.Ltmp2:
0x28: {  	_ = 	snop;
	(pc) =	sbr.rel @p1 .LBB1_5-.Ltmp2, $1  }
0x29: {  	_ =	sdelay $0x3  }
0x2a: {  	s14 =	simm.s32 $0x1  }
0x2b: {  	_ =	swait.ge [sflag:s4], $0x1000;
	s14 =	simm.s32 @!p0 $0x0  }
0x2c: {  	[sflag:s4] =	ssyncset.done $0x0;
	s15 =	sshll.u32 s14, $0xC  }
0x2d: {  	[sflag:s4] =	ssyncadd.s32 $0xFFFFF000;
	s18 =	sor.u32 $0x10, s15  }
0x2e: {  	s14 =	smul.u32 $0x4080, s14;
	v1 =	vld [tilespmem:s18+$0x0]  }
0x2f: {  	s30 =	sand.u32 $0x1, s11;
	v0 =	vld [tilespmem:s18+$0xFFFFFFF0]  }
0x30: {  	s15 =	smul.u32 $0x4080, s30;
	s14 =	sshrl.u32 s14, $0x2  }
0x31: {  	s16 =	sor.u32 $0x2000, s14  }
0x32: {  	s31 =	sshrl.u32 s15, $0x2;
	s15 =	sadd.s32 $0x0, s16  }
0x33: {  	s17 =	simm.s32 $0x4;
	s18 =	sadd.s32 $0x20, s18;
	s14 =	sor.u32 $0x2000, s31;
	[tilespmem:s15+$0x810 ss:$0x81] =	vst.msk $0xffff, v1  }
.LBB1_3:
0x34: {  	v1 =	vld [tilespmem:s18+$0x0];
	p1 =	sne.s32 s17, $0x1FC;
	[tilespmem:s15+$0x0 ss:$0x81] =	vst.msk $0xffff, v0;
	s15 =	smov.u32 s17;
	s17 =	sadd.s32 $0x4, s17  }
.Ltmp3:
0x35: {  	v0 =	vld [tilespmem:s18+$0xFFFFFFF0];
	(pc) =	sbr.rel @p1 .LBB1_3-.Ltmp3, $4  }
0x36: {  	_ = 	snop  }
0x37: {  	s15 =	sshra.s32 s15, $0x2  }
0x38: {  	s15 =	sadd.s32 s15, s16  }
0x39: {  	s18 =	sadd.s32 $0x20, s18;
	[tilespmem:s15+$0x810 ss:$0x81] =	vst.msk $0xffff, v1  }
.Ltmp4:
0x3a: {  	_ = 	snop;
	(pc) =	sbr.rel .LBB1_4-.Ltmp4, $1  }
0x3b: {  	_ =	sdelay $0x3  }
.LBB1_6:
0x3c: {  	_ =	sfence.sel $0x180000  }
0x3d: {  	s2 =	simm.s32 $0x1;
	[bflag:$0x0] =	sbarrier.arrive $0xFFFF  }
0x3e: {  	s31 =	simm.s32 $0x2;
	[sflag:s2] =	ssyncpa.u1 $0x1  }
0x3f: {  	[sflag:s31] =	ssyncpa.u1 $0x1  }
0x40: {  	p0 =	sne.s32 s0, $0x0;
	_ =	strace $0x9000004A  }
0x41: {  	s0 =	sadd.s32 @!p0 $0x100000, s1;
	[bflag:$0x2] =	sbarrier.arrive $0xFFFF  }
0x42: {  	[sflag:s0] =	ssyncadd.tile.s32 @!p0 $0x1;
	_ =	shalt  }
.Lfunc_end1:
_tile_overlayer_lowered:
.L_overlay_start_2:
0x43: {  	(tag) =	ssettag $0x2  }
0x44: {  	s0 =	rddreg [dreg:$0x0];
	s2 =	stileid.u32  }
0x45: {  	s1 =	rddreg [dreg:$0x1];
	p0 =	sne.s32 s2, $0x0  }
0x46: {  	s3 =	rddreg [dreg:$0x2];
	[bflag:$0x3] =	sbarrier.arrive $0xFFFF;
	s2 =	simm.s32 @!p0 $0x1C01  }
0x47: {  	[timem:s3], [sflag:s2] =	dma.local @!p0 [hbm:s0], s1  }
0x48: {  	s0 =	simm.s32 @!p0 $0x1  }
0x49: {  	_ =	swait.ge @!p0 [sflag:s0], s1  }
0x4a: {  	s1 =	ssub.s32 @!p0 $0x0, s1;
	[sflag:s0] =	ssyncset.done @!p0 $0x0  }
0x4b: {  	[sflag:s0] =	ssyncadd.s32 @!p0 s1  }
0x4c: {  	[bflag:$0x3] =	sbarrier.arrive $0xFFFF  }
0x4d: {  	_ =	shalt  }

</sc_bundles>
